<compile_context>
chip_gen: v7x
topology: tpu7x:2x2x1
jax: 0.10.2.dev20260603
libtpu: 0.0.44.dev20260713+nightly
codegen_flags: <defaults>
</compile_context>

<pallas_src>
import functools

import jax
import jax.numpy as jnp
from jax import lax
from jax.experimental import pallas as pl
from jax.experimental.pallas import tpu as pltpu
from jax.experimental.pallas import tpu_sc as plsc

NODES = 10000
PADN = 10240
EDGES = 320000
FEAT = 128
CHUNK = 128
NSC = 2
NSUB = 16
NW = NSC * NSUB
ROWS_PER_SUB = PADN // NSUB
ECHUNKS = 2560
EPAD = ECHUNKS * CHUNK
CPS = ECHUNKS // NW
CROWS = PADN // FEAT


@functools.cache
def _make_sc_agg(with_counts):
  mesh = plsc.VectorSubcoreMesh(
      core_axis_name="c", subcore_axis_name="s", num_cores=NSC,
      num_subcores=NSUB)

  out_type = [jax.ShapeDtypeStruct((NSC, PADN, FEAT), jnp.float32)]
  scratch = [
      pltpu.VMEM((CPS, CHUNK), jnp.int32),
      pltpu.VMEM((CPS, CHUNK), jnp.int32),
      pltpu.VMEM((CHUNK, FEAT), jnp.float32),
      pltpu.VMEM_SHARED((PADN, FEAT), jnp.float32),
      pltpu.SemaphoreType.DMA,
      pltpu.SemaphoreType.DMA,
      pltpu.SemaphoreType.DMA,
  ]
  if with_counts:
    out_type.append(jax.ShapeDtypeStruct((NSC, CROWS, FEAT), jnp.int32))
    scratch += [
        pltpu.VMEM((CROWS, FEAT), jnp.int32),
        pltpu.VMEM((CROWS,), jnp.int32),
        pltpu.VMEM_SHARED((CROWS, FEAT), jnp.int32),
    ]

  @functools.partial(
      pl.kernel, out_type=out_type, mesh=mesh, scratch_types=scratch,
      compiler_params=pltpu.CompilerParams(needs_layout_passes=False))
  def sc_agg(table, srci, dsti, *refs):
    if with_counts:
      (part, cntp, sidx, didx, rows, acc, isem0, isem1, gsem,
       cloc, iota_r, cacc) = refs
    else:
      part, sidx, didx, rows, acc, isem0, isem1, gsem = refs
    c = lax.axis_index("c")
    s = lax.axis_index("s")
    w = c * NSUB + s

    pltpu.async_copy(srci.at[pl.ds(w * CPS, CPS)], sidx, isem0)
    pltpu.async_copy(dsti.at[pl.ds(w * CPS, CPS)], didx, isem1)

    zv = jnp.zeros((16,), jnp.float32)

    def zrow(i, carry):
      def zcol(j, carry2):
        rows[i, pl.ds(j * 16, 16)] = zv
        return carry2
      return lax.fori_loop(0, FEAT // 16, zcol, carry)

    lax.fori_loop(0, 128, zrow, 0)
    for r in range(ROWS_PER_SUB // 128):
      pltpu.sync_copy(rows, acc.at[pl.ds(s * ROWS_PER_SUB + r * 128, 128)])

    if with_counts:
      zi = jnp.zeros((16,), jnp.int32)

      def czrow(i, carry):
        def czcol(j, carry2):
          cloc[i, pl.ds(j * 16, 16)] = zi
          return carry2
        return lax.fori_loop(0, FEAT // 16, czcol, carry)

      lax.fori_loop(0, CROWS, czrow, 0)
      for k in range(CROWS // 16):
        iota_r[pl.ds(k * 16, 16)] = lax.iota(jnp.int32, 16) + k * 16
      @pl.when(s < CROWS // 8)
      def _():
        pltpu.sync_copy(cloc.at[pl.ds(0, 8)], cacc.at[pl.ds(s * 8, 8)])
    plsc.subcore_barrier()

    pltpu.make_async_copy(srci.at[pl.ds(w * CPS, CPS)], sidx, isem0).wait()
    pltpu.make_async_copy(dsti.at[pl.ds(w * CPS, CPS)], didx, isem1).wait()

    def counts_for(k):
      for i in range(CHUNK // 16):
        v = didx[k, pl.ds(i * 16, 16)]
        row = lax.shift_right_logical(v, 7)
        col = jnp.bitwise_and(v, 127)
        cv, last = plsc.scan_count(v)
        plsc.addupdate_scatter(cloc, [row, col], cv, mask=last)

    def chunk_body(k, carry):
      cpy = pltpu.async_copy(table.at[sidx.at[k]], rows, gsem)
      if with_counts:
        counts_for(k)
      cpy.wait()
      pltpu.sync_copy(rows, acc.at[didx.at[k]], add=True)
      return carry

    lax.fori_loop(0, CPS, chunk_body, 0)

    if with_counts:
      pltpu.sync_copy(cloc, cacc.at[iota_r], add=True)
    plsc.subcore_barrier()

    pltpu.sync_copy(
        acc.at[pl.ds(s * ROWS_PER_SUB, ROWS_PER_SUB)],
        part.at[c, pl.ds(s * ROWS_PER_SUB, ROWS_PER_SUB)])
    if with_counts:
      @pl.when(s < CROWS // 8)
      def _():
        pltpu.sync_copy(cacc.at[pl.ds(s * 8, 8)],
                        cntp.at[c, pl.ds(s * 8, 8)])

  return sc_agg


_BLK = 1024
_GRID = (-(-NODES // _BLK),)


def _tc1_body(x_ref, wl_ref, wr_ref, b_ref, xl_ref, xr_ref):
  xb = x_ref[...]
  xl_ref[...] = jnp.dot(xb, wl_ref[...], preferred_element_type=jnp.float32)
  xr_ref[...] = (
      jnp.dot(xb, wr_ref[...], preferred_element_type=jnp.float32)
      + b_ref[...])


_tc1 = pl.pallas_call(
    _tc1_body,
    grid=_GRID,
    in_specs=[
        pl.BlockSpec((_BLK, FEAT), lambda i: (i, 0)),
        pl.BlockSpec((FEAT, FEAT), lambda i: (0, 0)),
        pl.BlockSpec((FEAT, FEAT), lambda i: (0, 0)),
        pl.BlockSpec((1, FEAT), lambda i: (0, 0)),
    ],
    out_specs=[
        pl.BlockSpec((_BLK, FEAT), lambda i: (i, 0)),
        pl.BlockSpec((_BLK, FEAT), lambda i: (i, 0)),
    ],
    out_shape=[
        jax.ShapeDtypeStruct((NODES, FEAT), jnp.float32),
        jax.ShapeDtypeStruct((NODES, FEAT), jnp.float32),
    ],
)


def _tc2_body(p0_ref, p1_ref, cnt_ref, xr_ref, wl_ref, wr_ref, b_ref,
              xl2_ref, xr2_ref):
  inv = 1.0 / jnp.maximum(cnt_ref[...], 1.0)
  x1 = (p0_ref[0] + p1_ref[0]) * inv + xr_ref[...]
  xl2_ref[...] = jnp.dot(x1, wl_ref[...], preferred_element_type=jnp.float32)
  xr2_ref[...] = (
      jnp.dot(x1, wr_ref[...], preferred_element_type=jnp.float32)
      + b_ref[...])


_tc2 = pl.pallas_call(
    _tc2_body,
    grid=_GRID,
    in_specs=[
        pl.BlockSpec((1, _BLK, FEAT), lambda i: (0, i, 0)),
        pl.BlockSpec((1, _BLK, FEAT), lambda i: (1, i, 0)),
        pl.BlockSpec((_BLK, FEAT), lambda i: (i, 0)),
        pl.BlockSpec((_BLK, FEAT), lambda i: (i, 0)),
        pl.BlockSpec((FEAT, FEAT), lambda i: (0, 0)),
        pl.BlockSpec((FEAT, FEAT), lambda i: (0, 0)),
        pl.BlockSpec((1, FEAT), lambda i: (0, 0)),
    ],
    out_specs=[
        pl.BlockSpec((_BLK, FEAT), lambda i: (i, 0)),
        pl.BlockSpec((_BLK, FEAT), lambda i: (i, 0)),
    ],
    out_shape=[
        jax.ShapeDtypeStruct((NODES, FEAT), jnp.float32),
        jax.ShapeDtypeStruct((NODES, FEAT), jnp.float32),
    ],
)


def _tc3_body(q0_ref, q1_ref, cnt_ref, xr_ref, out_ref):
  inv = 1.0 / jnp.maximum(cnt_ref[...], 1.0)
  out_ref[...] = (q0_ref[0] + q1_ref[0]) * inv + xr_ref[...]


_tc3 = pl.pallas_call(
    _tc3_body,
    grid=_GRID,
    in_specs=[
        pl.BlockSpec((1, _BLK, FEAT), lambda i: (0, i, 0)),
        pl.BlockSpec((1, _BLK, FEAT), lambda i: (1, i, 0)),
        pl.BlockSpec((_BLK, FEAT), lambda i: (i, 0)),
        pl.BlockSpec((_BLK, FEAT), lambda i: (i, 0)),
    ],
    out_specs=pl.BlockSpec((_BLK, FEAT), lambda i: (i, 0)),
    out_shape=jax.ShapeDtypeStruct((NODES, FEAT), jnp.float32),
)


def kernel(x, edge_index, W1_l, b1_l, W1_r, W2_l, b2_l, W2_r):
  src = edge_index[0]
  dst = edge_index[1]

  pe = EPAD - EDGES
  pad_i = jnp.arange(pe, dtype=jnp.int32)
  src2d = jnp.concatenate([src, pad_i % NODES]).reshape(ECHUNKS, CHUNK)
  dst2d = jnp.concatenate(
      [dst, NODES + pad_i % (PADN - NODES)]).reshape(ECHUNKS, CHUNK)

  xl1, xr1b = _tc1(x, W1_l, W1_r, b1_l.reshape(1, FEAT))

  part1, cntp = _make_sc_agg(True)(xl1, src2d, dst2d)

  cnt = (cntp[0] + cntp[1]).astype(jnp.float32).reshape(PADN)[:NODES]
  cnt_b = jnp.broadcast_to(cnt[:, None], (NODES, FEAT))

  xl2, xr2b = _tc2(part1, part1, cnt_b, xr1b, W2_l, W2_r,
                   b2_l.reshape(1, FEAT))

  (part2,) = _make_sc_agg(False)(xl2, src2d, dst2d)

  return _tc3(part2, part2, cnt_b, xr2b)

# --- scband reference (transcript-rebuilt; emitter-appended) ---
"""Pipeline reference for scband-base2-layer-gnn-32547262169571 (READ-ONLY COPY).

The authoritative reference and input builder live on the scoring server;
editing this copy changes nothing except your own understanding.
"""

import jax, jax.numpy as jnp
import numpy as np

N = 10000
E = 320000
D = 128


def setup_inputs(seed: int = 0) -> dict:
    key = jax.random.key(seed)
    ks = jax.random.split(key, 8)
    x = jax.random.normal(ks[0], (N, D), dtype=jnp.float32)
    edge_index = jax.random.randint(ks[1], (2, E), 0, N, dtype=jnp.int32)
    s = 1.0 / np.sqrt(D)
    # SAGEConv params per layer: lin_l (neighbor, with bias), lin_r (root, no bias)
    W1_l = jax.random.normal(ks[2], (D, D), dtype=jnp.float32) * s
    b1_l = jnp.zeros((D,), dtype=jnp.float32)
    W1_r = jax.random.normal(ks[3], (D, D), dtype=jnp.float32) * s
    W2_l = jax.random.normal(ks[4], (D, D), dtype=jnp.float32) * s
    b2_l = jnp.zeros((D,), dtype=jnp.float32)
    W2_r = jax.random.normal(ks[5], (D, D), dtype=jnp.float32) * s
    return {"x": x, "edge_index": edge_index, "W1_l": W1_l, "b1_l": b1_l, "W1_r": W1_r, "W2_l": W2_l, "b2_l": b2_l, "W2_r": W2_r}


def _sage_conv(x, edge_index, W_l, b_l, W_r):
    # PyG SAGEConv(root_weight=True), mean aggregation:
    # out = lin_l(mean_{j in N(i)} x_j) + lin_r(x_i)
    src = edge_index[0]
    dst = edge_index[1]
    msg = jnp.take(x, src, axis=0)                      # gather  [E, D]
    summed = jax.ops.segment_sum(msg, dst, num_segments=N)
    cnt = jax.ops.segment_sum(jnp.ones((E,), dtype=x.dtype), dst, num_segments=N)
    mean = summed / jnp.clip(cnt, 1.0, None)[:, None]
    return mean @ W_l + b_l + x @ W_r


def reference(x, edge_index, W1_l, b1_l, W1_r, W2_l, b2_l, W2_r):
    x1 = _sage_conv(x, edge_index, W1_l, b1_l, W1_r)
    x2 = _sage_conv(x1, edge_index, W2_l, b2_l, W2_r)
    return x2

if __name__ == "__main__":
    import jax
    _d = setup_inputs()
    print(jax.jit(kernel)(*tuple(_d.values())))

</pallas_src>

<mosaic_0001>
#map = affine_map<(d0, d1) -> (0, 0)>
#map1 = affine_map<(d0, d1) -> (0, 0, 0)>
module attributes {stable_mosaic.version = 14 : i64} {
  func.func @sc_agg(%arg0: i32, %arg1: i32, %arg2: memref<10000x128xf32, #tpu.memory_space<hbm>>, %arg3: memref<2560x128xi32, #tpu.memory_space<hbm>>, %arg4: memref<2560x128xi32, #tpu.memory_space<hbm>>, %arg5: memref<2x10240x128xf32, #tpu.memory_space<hbm>>, %arg6: memref<2x80x128xi32, #tpu.memory_space<hbm>>, %arg7: memref<80x128xi32, #tpu.memory_space<vmem>>, %arg8: memref<80x128xi32, #tpu.memory_space<vmem>>, %arg9: memref<128x128xf32, #tpu.memory_space<vmem>>, %arg10: memref<10240x128xf32, #tpu.memory_space<vmem_shared>>, %arg11: memref<!tpu.dma_semaphore, #tpu.memory_space<semaphore_mem>>, %arg12: memref<!tpu.dma_semaphore, #tpu.memory_space<semaphore_mem>>, %arg13: memref<!tpu.dma_semaphore, #tpu.memory_space<semaphore_mem>>, %arg14: memref<80x128xi32, #tpu.memory_space<vmem>>, %arg15: memref<80xi32, #tpu.memory_space<vmem>>, %arg16: memref<80x128xi32, #tpu.memory_space<vmem_shared>>) attributes {dimension_semantics = [#tpu.dimension_semantics<core_parallel>, #tpu.dimension_semantics<subcore_parallel>], iteration_bounds = array<i64: 2, 16>, scalar_prefetch = 0 : i64, scratch_operands = 10 : i64, tpu.core_type = #tpu.core_type<sc_vector_subcore>, window_params = [{transform_indices = #map}, {transform_indices = #map}, {transform_indices = #map}, {transform_indices = #map1}, {transform_indices = #map1}]} {
    %mul3A = arith.constant 16 : i32
    %mul3A_0 = arith.muli %arg0, %mul3A : i32
    %add3A = arith.addi %mul3A_0, %arg1 : i32
    %mul3A_1 = arith.constant 80 : i32
    %mul3A_2 = arith.muli %add3A, %mul3A_1 : i32
    %dma_start3A = arith.constant 0 : i32
    %dma_start3A_3 = tpu.memref_slice %arg3[%mul3A_2, %dma_start3A] : memref<2560x128xi32, #tpu.memory_space<hbm>> -> memref<80x128xi32, #tpu.memory_space<hbm>>
    %dma_start3A_4 = arith.constant 0 : i32
    %dma_start3A_5 = tpu.memref_slice %arg3[%mul3A_2, %dma_start3A_4] : memref<2560x128xi32, #tpu.memory_space<hbm>> -> memref<80x128xi32, #tpu.memory_space<hbm>>
    tpu.enqueue_dma source(%dma_start3A_5 : memref<80x128xi32, #tpu.memory_space<hbm>>) target(%arg7 : memref<80x128xi32, #tpu.memory_space<vmem>>) target_semaphore(%arg11 : memref<!tpu.dma_semaphore, #tpu.memory_space<semaphore_mem>>)
    %mul3A_6 = arith.constant 80 : i32
    %mul3A_7 = arith.muli %add3A, %mul3A_6 : i32
    %dma_start3A_8 = arith.constant 0 : i32
    %dma_start3A_9 = tpu.memref_slice %arg4[%mul3A_7, %dma_start3A_8] : memref<2560x128xi32, #tpu.memory_space<hbm>> -> memref<80x128xi32, #tpu.memory_space<hbm>>
    %dma_start3A_10 = arith.constant 0 : i32
    %dma_start3A_11 = tpu.memref_slice %arg4[%mul3A_7, %dma_start3A_10] : memref<2560x128xi32, #tpu.memory_space<hbm>> -> memref<80x128xi32, #tpu.memory_space<hbm>>
    tpu.enqueue_dma source(%dma_start3A_11 : memref<80x128xi32, #tpu.memory_space<hbm>>) target(%arg8 : memref<80x128xi32, #tpu.memory_space<vmem>>) target_semaphore(%arg12 : memref<!tpu.dma_semaphore, #tpu.memory_space<semaphore_mem>>)
    %broadcast_in_dim3A = arith.constant 0.000000e+00 : f32
    %broadcast_in_dim3A_12 = vector.broadcast %broadcast_in_dim3A : f32 to vector<16xf32>
    %scan3A = arith.constant 0 : i32
    %scan3A_13 = arith.constant 0 : i32
    %scan3A_14 = arith.constant 128 : i32
    %scan3A_15 = arith.addi %scan3A_13, %scan3A_14 : i32
    %scan3A_16 = arith.constant 1 : i32
    scf.for %scan3A_103 = %scan3A_13 to %scan3A_15 step %scan3A_16  : i32 {
      %scan3A_104 = arith.constant 0 : i32
      %scan3A_105 = arith.constant 8 : i32
      %scan3A_106 = arith.addi %scan3A_104, %scan3A_105 : i32
      %scan3A_107 = arith.constant 1 : i32
      scf.for %scan3A_109 = %scan3A_104 to %scan3A_106 step %scan3A_107  : i32 {
        %mul3A_110 = arith.constant 16 : i32
        %mul3A_111 = arith.muli %scan3A_109, %mul3A_110 : i32
        %swap3A_112 = arith.index_cast %scan3A_103 : i32 to index
        %swap3A_113 = arith.index_cast %mul3A_111 : i32 to index
        %swap3A_114 = tpu.vector_load %arg9[%swap3A_112, %swap3A_113] {strides = array<i32>} : memref<128x128xf32, #tpu.memory_space<vmem>>, vector<16xf32>,
        tpu.vector_store %arg9[%swap3A_112, %swap3A_113], %broadcast_in_dim3A_12 {strides = array<i32>} : memref<128x128xf32, #tpu.memory_space<vmem>>, vector<16xf32>,
      }
      %scan3A_108 = arith.constant 8 : i32
    }
    %scan3A_17 = arith.constant 128 : i32
    %mul3A_18 = arith.constant 640 : i32
    %mul3A_19 = arith.muli %arg1, %mul3A_18 : i32
    %add3A_20 = arith.constant 0 : i32
    %add3A_21 = arith.addi %mul3A_19, %add3A_20 : i32
    "tpu.region"() ({
      %run_scoped3A = tpu.sem_alloc : memref<!tpu.dma_semaphore, #tpu.memory_space<semaphore_mem>>
      %dma_start3A_103 = arith.constant 0 : i32
      %dma_start3A_104 = tpu.memref_slice %arg10[%add3A_21, %dma_start3A_103] : memref<10240x128xf32, #tpu.memory_space<vmem_shared>> -> memref<128x128xf32, #tpu.memory_space<vmem_shared>>
      %dma_start3A_105 = arith.constant 0 : i32
      %dma_start3A_106 = tpu.memref_slice %arg10[%add3A_21, %dma_start3A_105] : memref<10240x128xf32, #tpu.memory_space<vmem_shared>> -> memref<128x128xf32, #tpu.memory_space<vmem_shared>>
      tpu.enqueue_dma source(%arg9 : memref<128x128xf32, #tpu.memory_space<vmem>>) target(%dma_start3A_106 : memref<128x128xf32, #tpu.memory_space<vmem_shared>>) target_semaphore(%run_scoped3A : memref<!tpu.dma_semaphore, #tpu.memory_space<semaphore_mem>>)
      %dma_wait3A_107 = arith.constant 0 : i32
      %dma_wait3A_108 = tpu.memref_slice %arg10[%add3A_21, %dma_wait3A_107] : memref<10240x128xf32, #tpu.memory_space<vmem_shared>> -> memref<128x128xf32, #tpu.memory_space<vmem_shared>>
      %dma_wait3A_109 = arith.constant 0 : i32
      %dma_wait3A_110 = tpu.memref_slice %arg10[%add3A_21, %dma_wait3A_109] : memref<10240x128xf32, #tpu.memory_space<vmem_shared>> -> memref<128x128xf32, #tpu.memory_space<vmem_shared>>
      tpu.wait_dma2 semaphore(%run_scoped3A : memref<!tpu.dma_semaphore, #tpu.memory_space<semaphore_mem>>) src(%arg9 : memref<128x128xf32, #tpu.memory_space<vmem>>) dst(%dma_wait3A_110 : memref<128x128xf32, #tpu.memory_space<vmem_shared>>)
      tpu.yield
    }) : () -> ()
    %mul3A_22 = arith.constant 640 : i32
    %mul3A_23 = arith.muli %arg1, %mul3A_22 : i32
    %add3A_24 = arith.constant 128 : i32
    %add3A_25 = arith.addi %mul3A_23, %add3A_24 : i32
    "tpu.region"() ({
      %run_scoped3A = tpu.sem_alloc : memref<!tpu.dma_semaphore, #tpu.memory_space<semaphore_mem>>
      %dma_start3A_103 = arith.constant 0 : i32
      %dma_start3A_104 = tpu.memref_slice %arg10[%add3A_25, %dma_start3A_103] : memref<10240x128xf32, #tpu.memory_space<vmem_shared>> -> memref<128x128xf32, #tpu.memory_space<vmem_shared>>
      %dma_start3A_105 = arith.constant 0 : i32
      %dma_start3A_106 = tpu.memref_slice %arg10[%add3A_25, %dma_start3A_105] : memref<10240x128xf32, #tpu.memory_space<vmem_shared>> -> memref<128x128xf32, #tpu.memory_space<vmem_shared>>
      tpu.enqueue_dma source(%arg9 : memref<128x128xf32, #tpu.memory_space<vmem>>) target(%dma_start3A_106 : memref<128x128xf32, #tpu.memory_space<vmem_shared>>) target_semaphore(%run_scoped3A : memref<!tpu.dma_semaphore, #tpu.memory_space<semaphore_mem>>)
      %dma_wait3A_107 = arith.constant 0 : i32
      %dma_wait3A_108 = tpu.memref_slice %arg10[%add3A_25, %dma_wait3A_107] : memref<10240x128xf32, #tpu.memory_space<vmem_shared>> -> memref<128x128xf32, #tpu.memory_space<vmem_shared>>
      %dma_wait3A_109 = arith.constant 0 : i32
      %dma_wait3A_110 = tpu.memref_slice %arg10[%add3A_25, %dma_wait3A_109] : memref<10240x128xf32, #tpu.memory_space<vmem_shared>> -> memref<128x128xf32, #tpu.memory_space<vmem_shared>>
      tpu.wait_dma2 semaphore(%run_scoped3A : memref<!tpu.dma_semaphore, #tpu.memory_space<semaphore_mem>>) src(%arg9 : memref<128x128xf32, #tpu.memory_space<vmem>>) dst(%dma_wait3A_110 : memref<128x128xf32, #tpu.memory_space<vmem_shared>>)
      tpu.yield
    }) : () -> ()
    %mul3A_26 = arith.constant 640 : i32
    %mul3A_27 = arith.muli %arg1, %mul3A_26 : i32
    %add3A_28 = arith.constant 256 : i32
    %add3A_29 = arith.addi %mul3A_27, %add3A_28 : i32
    "tpu.region"() ({
      %run_scoped3A = tpu.sem_alloc : memref<!tpu.dma_semaphore, #tpu.memory_space<semaphore_mem>>
      %dma_start3A_103 = arith.constant 0 : i32
      %dma_start3A_104 = tpu.memref_slice %arg10[%add3A_29, %dma_start3A_103] : memref<10240x128xf32, #tpu.memory_space<vmem_shared>> -> memref<128x128xf32, #tpu.memory_space<vmem_shared>>
      %dma_start3A_105 = arith.constant 0 : i32
      %dma_start3A_106 = tpu.memref_slice %arg10[%add3A_29, %dma_start3A_105] : memref<10240x128xf32, #tpu.memory_space<vmem_shared>> -> memref<128x128xf32, #tpu.memory_space<vmem_shared>>
      tpu.enqueue_dma source(%arg9 : memref<128x128xf32, #tpu.memory_space<vmem>>) target(%dma_start3A_106 : memref<128x128xf32, #tpu.memory_space<vmem_shared>>) target_semaphore(%run_scoped3A : memref<!tpu.dma_semaphore, #tpu.memory_space<semaphore_mem>>)
      %dma_wait3A_107 = arith.constant 0 : i32
      %dma_wait3A_108 = tpu.memref_slice %arg10[%add3A_29, %dma_wait3A_107] : memref<10240x128xf32, #tpu.memory_space<vmem_shared>> -> memref<128x128xf32, #tpu.memory_space<vmem_shared>>
      %dma_wait3A_109 = arith.constant 0 : i32
      %dma_wait3A_110 = tpu.memref_slice %arg10[%add3A_29, %dma_wait3A_109] : memref<10240x128xf32, #tpu.memory_space<vmem_shared>> -> memref<128x128xf32, #tpu.memory_space<vmem_shared>>
      tpu.wait_dma2 semaphore(%run_scoped3A : memref<!tpu.dma_semaphore, #tpu.memory_space<semaphore_mem>>) src(%arg9 : memref<128x128xf32, #tpu.memory_space<vmem>>) dst(%dma_wait3A_110 : memref<128x128xf32, #tpu.memory_space<vmem_shared>>)
      tpu.yield
    }) : () -> ()
    %mul3A_30 = arith.constant 640 : i32
    %mul3A_31 = arith.muli %arg1, %mul3A_30 : i32
    %add3A_32 = arith.constant 384 : i32
    %add3A_33 = arith.addi %mul3A_31, %add3A_32 : i32
    "tpu.region"() ({
      %run_scoped3A = tpu.sem_alloc : memref<!tpu.dma_semaphore, #tpu.memory_space<semaphore_mem>>
      %dma_start3A_103 = arith.constant 0 : i32
      %dma_start3A_104 = tpu.memref_slice %arg10[%add3A_33, %dma_start3A_103] : memref<10240x128xf32, #tpu.memory_space<vmem_shared>> -> memref<128x128xf32, #tpu.memory_space<vmem_shared>>
      %dma_start3A_105 = arith.constant 0 : i32
      %dma_start3A_106 = tpu.memref_slice %arg10[%add3A_33, %dma_start3A_105] : memref<10240x128xf32, #tpu.memory_space<vmem_shared>> -> memref<128x128xf32, #tpu.memory_space<vmem_shared>>
      tpu.enqueue_dma source(%arg9 : memref<128x128xf32, #tpu.memory_space<vmem>>) target(%dma_start3A_106 : memref<128x128xf32, #tpu.memory_space<vmem_shared>>) target_semaphore(%run_scoped3A : memref<!tpu.dma_semaphore, #tpu.memory_space<semaphore_mem>>)
      %dma_wait3A_107 = arith.constant 0 : i32
      %dma_wait3A_108 = tpu.memref_slice %arg10[%add3A_33, %dma_wait3A_107] : memref<10240x128xf32, #tpu.memory_space<vmem_shared>> -> memref<128x128xf32, #tpu.memory_space<vmem_shared>>
      %dma_wait3A_109 = arith.constant 0 : i32
      %dma_wait3A_110 = tpu.memref_slice %arg10[%add3A_33, %dma_wait3A_109] : memref<10240x128xf32, #tpu.memory_space<vmem_shared>> -> memref<128x128xf32, #tpu.memory_space<vmem_shared>>
      tpu.wait_dma2 semaphore(%run_scoped3A : memref<!tpu.dma_semaphore, #tpu.memory_space<semaphore_mem>>) src(%arg9 : memref<128x128xf32, #tpu.memory_space<vmem>>) dst(%dma_wait3A_110 : memref<128x128xf32, #tpu.memory_space<vmem_shared>>)
      tpu.yield
    }) : () -> ()
    %mul3A_34 = arith.constant 640 : i32
    %mul3A_35 = arith.muli %arg1, %mul3A_34 : i32
    %add3A_36 = arith.constant 512 : i32
    %add3A_37 = arith.addi %mul3A_35, %add3A_36 : i32
    "tpu.region"() ({
      %run_scoped3A = tpu.sem_alloc : memref<!tpu.dma_semaphore, #tpu.memory_space<semaphore_mem>>
      %dma_start3A_103 = arith.constant 0 : i32
      %dma_start3A_104 = tpu.memref_slice %arg10[%add3A_37, %dma_start3A_103] : memref<10240x128xf32, #tpu.memory_space<vmem_shared>> -> memref<128x128xf32, #tpu.memory_space<vmem_shared>>
      %dma_start3A_105 = arith.constant 0 : i32
      %dma_start3A_106 = tpu.memref_slice %arg10[%add3A_37, %dma_start3A_105] : memref<10240x128xf32, #tpu.memory_space<vmem_shared>> -> memref<128x128xf32, #tpu.memory_space<vmem_shared>>
      tpu.enqueue_dma source(%arg9 : memref<128x128xf32, #tpu.memory_space<vmem>>) target(%dma_start3A_106 : memref<128x128xf32, #tpu.memory_space<vmem_shared>>) target_semaphore(%run_scoped3A : memref<!tpu.dma_semaphore, #tpu.memory_space<semaphore_mem>>)
      %dma_wait3A_107 = arith.constant 0 : i32
      %dma_wait3A_108 = tpu.memref_slice %arg10[%add3A_37, %dma_wait3A_107] : memref<10240x128xf32, #tpu.memory_space<vmem_shared>> -> memref<128x128xf32, #tpu.memory_space<vmem_shared>>
      %dma_wait3A_109 = arith.constant 0 : i32
      %dma_wait3A_110 = tpu.memref_slice %arg10[%add3A_37, %dma_wait3A_109] : memref<10240x128xf32, #tpu.memory_space<vmem_shared>> -> memref<128x128xf32, #tpu.memory_space<vmem_shared>>
      tpu.wait_dma2 semaphore(%run_scoped3A : memref<!tpu.dma_semaphore, #tpu.memory_space<semaphore_mem>>) src(%arg9 : memref<128x128xf32, #tpu.memory_space<vmem>>) dst(%dma_wait3A_110 : memref<128x128xf32, #tpu.memory_space<vmem_shared>>)
      tpu.yield
    }) : () -> ()
    %broadcast_in_dim3A_38 = arith.constant 0 : i32
    %broadcast_in_dim3A_39 = vector.broadcast %broadcast_in_dim3A_38 : i32 to vector<16xi32>
    %scan3A_40 = arith.constant 0 : i32
    %scan3A_41 = arith.constant 0 : i32
    %scan3A_42 = arith.constant 80 : i32
    %scan3A_43 = arith.addi %scan3A_41, %scan3A_42 : i32
    %scan3A_44 = arith.constant 1 : i32
    scf.for %scan3A_103 = %scan3A_41 to %scan3A_43 step %scan3A_44  : i32 {
      %scan3A_104 = arith.constant 0 : i32
      %scan3A_105 = arith.constant 8 : i32
      %scan3A_106 = arith.addi %scan3A_104, %scan3A_105 : i32
      %scan3A_107 = arith.constant 1 : i32
      scf.for %scan3A_109 = %scan3A_104 to %scan3A_106 step %scan3A_107  : i32 {
        %mul3A_110 = arith.constant 16 : i32
        %mul3A_111 = arith.muli %scan3A_109, %mul3A_110 : i32
        %swap3A_112 = arith.index_cast %scan3A_103 : i32 to index
        %swap3A_113 = arith.index_cast %mul3A_111 : i32 to index
        %swap3A_114 = tpu.vector_load %arg14[%swap3A_112, %swap3A_113] {strides = array<i32>} : memref<80x128xi32, #tpu.memory_space<vmem>>, vector<16xi32>,
        tpu.vector_store %arg14[%swap3A_112, %swap3A_113], %broadcast_in_dim3A_39 {strides = array<i32>} : memref<80x128xi32, #tpu.memory_space<vmem>>, vector<16xi32>,
      }
      %scan3A_108 = arith.constant 8 : i32
    }
    %scan3A_45 = arith.constant 80 : i32
    %iota3A = tpu.iota {dimensions = array<i32: 0>} : vector<16xi32>
    %add3A_46 = arith.constant 0 : i32
    %add3A_47 = vector.broadcast %add3A_46 : i32 to vector<16xi32>
    %add3A_48 = arith.addi %iota3A, %add3A_47 : vector<16xi32>
    %swap3A = arith.constant 0 : index
    %swap3A_49 = tpu.vector_load %arg15[%swap3A] {strides = array<i32>} : memref<80xi32, #tpu.memory_space<vmem>>, vector<16xi32>,
    tpu.vector_store %arg15[%swap3A], %add3A_48 {strides = array<i32>} : memref<80xi32, #tpu.memory_space<vmem>>, vector<16xi32>,
    %iota3A_50 = tpu.iota {dimensions = array<i32: 0>} : vector<16xi32>
    %add3A_51 = arith.constant 16 : i32
    %add3A_52 = vector.broadcast %add3A_51 : i32 to vector<16xi32>
    %add3A_53 = arith.addi %iota3A_50, %add3A_52 : vector<16xi32>
    %swap3A_54 = arith.constant 16 : index
    %swap3A_55 = tpu.vector_load %arg15[%swap3A_54] {strides = array<i32>} : memref<80xi32, #tpu.memory_space<vmem>>, vector<16xi32>,
    tpu.vector_store %arg15[%swap3A_54], %add3A_53 {strides = array<i32>} : memref<80xi32, #tpu.memory_space<vmem>>, vector<16xi32>,
    %iota3A_56 = tpu.iota {dimensions = array<i32: 0>} : vector<16xi32>
    %add3A_57 = arith.constant 32 : i32
    %add3A_58 = vector.broadcast %add3A_57 : i32 to vector<16xi32>
    %add3A_59 = arith.addi %iota3A_56, %add3A_58 : vector<16xi32>
    %swap3A_60 = arith.constant 32 : index
    %swap3A_61 = tpu.vector_load %arg15[%swap3A_60] {strides = array<i32>} : memref<80xi32, #tpu.memory_space<vmem>>, vector<16xi32>,
    tpu.vector_store %arg15[%swap3A_60], %add3A_59 {strides = array<i32>} : memref<80xi32, #tpu.memory_space<vmem>>, vector<16xi32>,
    %iota3A_62 = tpu.iota {dimensions = array<i32: 0>} : vector<16xi32>
    %add3A_63 = arith.constant 48 : i32
    %add3A_64 = vector.broadcast %add3A_63 : i32 to vector<16xi32>
    %add3A_65 = arith.addi %iota3A_62, %add3A_64 : vector<16xi32>
    %swap3A_66 = arith.constant 48 : index
    %swap3A_67 = tpu.vector_load %arg15[%swap3A_66] {strides = array<i32>} : memref<80xi32, #tpu.memory_space<vmem>>, vector<16xi32>,
    tpu.vector_store %arg15[%swap3A_66], %add3A_65 {strides = array<i32>} : memref<80xi32, #tpu.memory_space<vmem>>, vector<16xi32>,
    %iota3A_68 = tpu.iota {dimensions = array<i32: 0>} : vector<16xi32>
    %add3A_69 = arith.constant 64 : i32
    %add3A_70 = vector.broadcast %add3A_69 : i32 to vector<16xi32>
    %add3A_71 = arith.addi %iota3A_68, %add3A_70 : vector<16xi32>
    %swap3A_72 = arith.constant 64 : index
    %swap3A_73 = tpu.vector_load %arg15[%swap3A_72] {strides = array<i32>} : memref<80xi32, #tpu.memory_space<vmem>>, vector<16xi32>,
    tpu.vector_store %arg15[%swap3A_72], %add3A_71 {strides = array<i32>} : memref<80xi32, #tpu.memory_space<vmem>>, vector<16xi32>,
    %lt3A = arith.constant 10 : i32
    %lt3A_74 = arith.cmpi slt, %arg1, %lt3A : i32
    %convert_element_type3A = arith.extui %lt3A_74 : i1 to i32
    %cond3A = arith.constant 0 : i32
    %cond3A_75 = arith.cmpi ne, %convert_element_type3A, %cond3A : i32
    scf.if %cond3A_75 {
      %mul3A_103 = arith.constant 8 : i32
      %mul3A_104 = arith.muli %arg1, %mul3A_103 : i32
      "tpu.region"() ({
        %run_scoped3A = tpu.sem_alloc : memref<!tpu.dma_semaphore, #tpu.memory_space<semaphore_mem>>
        %dma_start3A_105 = arith.constant 0 : i32
        %dma_start3A_106 = arith.constant 0 : i32
        %dma_start3A_107 = tpu.memref_slice %arg14[%dma_start3A_105, %dma_start3A_106] : memref<80x128xi32, #tpu.memory_space<vmem>> -> memref<8x128xi32, #tpu.memory_space<vmem>>
        %dma_start3A_108 = arith.constant 0 : i32
        %dma_start3A_109 = tpu.memref_slice %arg16[%mul3A_104, %dma_start3A_108] : memref<80x128xi32, #tpu.memory_space<vmem_shared>> -> memref<8x128xi32, #tpu.memory_space<vmem_shared>>
        %dma_start3A_110 = arith.constant 0 : i32
        %dma_start3A_111 = tpu.memref_slice %arg16[%mul3A_104, %dma_start3A_110] : memref<80x128xi32, #tpu.memory_space<vmem_shared>> -> memref<8x128xi32, #tpu.memory_space<vmem_shared>>
        %dma_start3A_112 = arith.constant 0 : i32
        %dma_start3A_113 = arith.constant 0 : i32
        %dma_start3A_114 = tpu.memref_slice %arg14[%dma_start3A_112, %dma_start3A_113] : memref<80x128xi32, #tpu.memory_space<vmem>> -> memref<8x128xi32, #tpu.memory_space<vmem>>
        tpu.enqueue_dma source(%dma_start3A_114 : memref<8x128xi32, #tpu.memory_space<vmem>>) target(%dma_start3A_111 : memref<8x128xi32, #tpu.memory_space<vmem_shared>>) target_semaphore(%run_scoped3A : memref<!tpu.dma_semaphore, #tpu.memory_space<semaphore_mem>>)
        %dma_wait3A_115 = arith.constant 0 : i32
        %dma_wait3A_116 = arith.constant 0 : i32
        %dma_wait3A_117 = tpu.memref_slice %arg14[%dma_wait3A_115, %dma_wait3A_116] : memref<80x128xi32, #tpu.memory_space<vmem>> -> memref<8x128xi32, #tpu.memory_space<vmem>>
        %dma_wait3A_118 = arith.constant 0 : i32
        %dma_wait3A_119 = tpu.memref_slice %arg16[%mul3A_104, %dma_wait3A_118] : memref<80x128xi32, #tpu.memory_space<vmem_shared>> -> memref<8x128xi32, #tpu.memory_space<vmem_shared>>
        %dma_wait3A_120 = arith.constant 0 : i32
        %dma_wait3A_121 = tpu.memref_slice %arg16[%mul3A_104, %dma_wait3A_120] : memref<80x128xi32, #tpu.memory_space<vmem_shared>> -> memref<8x128xi32, #tpu.memory_space<vmem_shared>>
        %dma_wait3A_122 = arith.constant 0 : i32
        %dma_wait3A_123 = arith.constant 0 : i32
        %dma_wait3A_124 = tpu.memref_slice %arg14[%dma_wait3A_122, %dma_wait3A_123] : memref<80x128xi32, #tpu.memory_space<vmem>> -> memref<8x128xi32, #tpu.memory_space<vmem>>
        tpu.wait_dma2 semaphore(%run_scoped3A : memref<!tpu.dma_semaphore, #tpu.memory_space<semaphore_mem>>) src(%dma_wait3A_124 : memref<8x128xi32, #tpu.memory_space<vmem>>) dst(%dma_wait3A_121 : memref<8x128xi32, #tpu.memory_space<vmem_shared>>)
        tpu.yield
      }) : () -> ()
    } else {
    }
    %barrier3A = arith.constant 0 : index
    tpu.barrier barrier_id(%barrier3A)
    %mul3A_76 = arith.constant 80 : i32
    %mul3A_77 = arith.muli %add3A, %mul3A_76 : i32
    %dma_wait3A = arith.constant 0 : i32
    %dma_wait3A_78 = tpu.memref_slice %arg3[%mul3A_77, %dma_wait3A] : memref<2560x128xi32, #tpu.memory_space<hbm>> -> memref<80x128xi32, #tpu.memory_space<hbm>>
    %dma_wait3A_79 = arith.constant 0 : i32
    %dma_wait3A_80 = tpu.memref_slice %arg3[%mul3A_77, %dma_wait3A_79] : memref<2560x128xi32, #tpu.memory_space<hbm>> -> memref<80x128xi32, #tpu.memory_space<hbm>>
    tpu.wait_dma2 semaphore(%arg11 : memref<!tpu.dma_semaphore, #tpu.memory_space<semaphore_mem>>) src(%dma_wait3A_80 : memref<80x128xi32, #tpu.memory_space<hbm>>) dst(%arg7 : memref<80x128xi32, #tpu.memory_space<vmem>>)
    %mul3A_81 = arith.constant 80 : i32
    %mul3A_82 = arith.muli %add3A, %mul3A_81 : i32
    %dma_wait3A_83 = arith.constant 0 : i32
    %dma_wait3A_84 = tpu.memref_slice %arg4[%mul3A_82, %dma_wait3A_83] : memref<2560x128xi32, #tpu.memory_space<hbm>> -> memref<80x128xi32, #tpu.memory_space<hbm>>
    %dma_wait3A_85 = arith.constant 0 : i32
    %dma_wait3A_86 = tpu.memref_slice %arg4[%mul3A_82, %dma_wait3A_85] : memref<2560x128xi32, #tpu.memory_space<hbm>> -> memref<80x128xi32, #tpu.memory_space<hbm>>
    tpu.wait_dma2 semaphore(%arg12 : memref<!tpu.dma_semaphore, #tpu.memory_space<semaphore_mem>>) src(%dma_wait3A_86 : memref<80x128xi32, #tpu.memory_space<hbm>>) dst(%arg8 : memref<80x128xi32, #tpu.memory_space<vmem>>)
    %scan3A_87 = arith.constant 0 : i32
    %scan3A_88 = arith.constant 0 : i32
    %scan3A_89 = arith.constant 80 : i32
    %scan3A_90 = arith.addi %scan3A_88, %scan3A_89 : i32
    %scan3A_91 = arith.constant 1 : i32
    scf.for %scan3A_103 = %scan3A_88 to %scan3A_90 step %scan3A_91  : i32 {
      %dma_start3A_104 = arith.constant 0 : i32
      %dma_start3A_105 = tpu.memref_slice %arg7[%scan3A_103, %dma_start3A_104] : memref<80x128xi32, #tpu.memory_space<vmem>> -> memref<1x128xi32, #tpu.memory_space<vmem>>
      %dma_start3A_106 = tpu.memref_squeeze %dma_start3A_105 : memref<1x128xi32, #tpu.memory_space<vmem>> -> memref<128xi32, #tpu.memory_space<vmem>>
      %dma_start3A_107 = arith.constant 0 : i32
      %dma_start3A_108 = arith.constant 0 : i32
      %dma_start3A_109 = tpu.memref_slice %arg2[%dma_start3A_107, %dma_start3A_108] : memref<10000x128xf32, #tpu.memory_space<hbm>> -> memref<10000x128xf32, #tpu.memory_space<hbm>>
      tpu.enqueue_indirect_dma source(%dma_start3A_109 : memref<10000x128xf32, #tpu.memory_space<hbm>>) target(%arg9 : memref<128x128xf32, #tpu.memory_space<vmem>>) offsets(%dma_start3A_106 : memref<128xi32, #tpu.memory_space<vmem>>) semaphore(%arg13 : memref<!tpu.dma_semaphore, #tpu.memory_space<semaphore_mem>>)
      %get3A = arith.index_cast %scan3A_103 : i32 to index
      %get3A_110 = arith.constant 0 : index
      %get3A_111 = tpu.vector_load %arg8[%get3A, %get3A_110] {strides = array<i32>} : memref<80x128xi32, #tpu.memory_space<vmem>>, vector<16xi32>,
      %shift_right_logical3A = arith.constant 7 : i32
      %shift_right_logical3A_112 = vector.broadcast %shift_right_logical3A : i32 to vector<16xi32>
      %shift_right_logical3A_113 = arith.shrui %get3A_111, %shift_right_logical3A_112 : vector<16xi32>
      %and3A = arith.constant 127 : i32
      %and3A_114 = vector.broadcast %and3A : i32 to vector<16xi32>
      %and3A_115 = arith.andi %get3A_111, %and3A_114 : vector<16xi32>
      %broadcast_in_dim3A_116 = arith.constant true
      %broadcast_in_dim3A_117 = vector.broadcast %broadcast_in_dim3A_116 : i1 to vector<16xi1>
      %unique3A, %unique3A_118 = tpu.scan_count mask(%broadcast_in_dim3A_117 : vector<16xi1>) value(%get3A_111 : vector<16xi32>) : vector<16xi1>, vector<16xi32>
      tpu.vector_store_idx %arg14[%shift_right_logical3A_113, %and3A_115], %unique3A_118 masked %unique3A {add = true} : memref<80x128xi32, #tpu.memory_space<vmem>>[vector<16xi32>, vector<16xi32>], vector<16xi32>, vector<16xi1>
      %get3A_119 = arith.index_cast %scan3A_103 : i32 to index
      %get3A_120 = arith.constant 16 : index
      %get3A_121 = tpu.vector_load %arg8[%get3A_119, %get3A_120] {strides = array<i32>} : memref<80x128xi32, #tpu.memory_space<vmem>>, vector<16xi32>,
      %shift_right_logical3A_122 = arith.constant 7 : i32
      %shift_right_logical3A_123 = vector.broadcast %shift_right_logical3A_122 : i32 to vector<16xi32>
      %shift_right_logical3A_124 = arith.shrui %get3A_121, %shift_right_logical3A_123 : vector<16xi32>
      %and3A_125 = arith.constant 127 : i32
      %and3A_126 = vector.broadcast %and3A_125 : i32 to vector<16xi32>
      %and3A_127 = arith.andi %get3A_121, %and3A_126 : vector<16xi32>
      %broadcast_in_dim3A_128 = arith.constant true
      %broadcast_in_dim3A_129 = vector.broadcast %broadcast_in_dim3A_128 : i1 to vector<16xi1>
      %unique3A_130, %unique3A_131 = tpu.scan_count mask(%broadcast_in_dim3A_129 : vector<16xi1>) value(%get3A_121 : vector<16xi32>) : vector<16xi1>, vector<16xi32>
      tpu.vector_store_idx %arg14[%shift_right_logical3A_124, %and3A_127], %unique3A_131 masked %unique3A_130 {add = true} : memref<80x128xi32, #tpu.memory_space<vmem>>[vector<16xi32>, vector<16xi32>], vector<16xi32>, vector<16xi1>
      %get3A_132 = arith.index_cast %scan3A_103 : i32 to index
      %get3A_133 = arith.constant 32 : index
      %get3A_134 = tpu.vector_load %arg8[%get3A_132, %get3A_133] {strides = array<i32>} : memref<80x128xi32, #tpu.memory_space<vmem>>, vector<16xi32>,
      %shift_right_logical3A_135 = arith.constant 7 : i32
      %shift_right_logical3A_136 = vector.broadcast %shift_right_logical3A_135 : i32 to vector<16xi32>
      %shift_right_logical3A_137 = arith.shrui %get3A_134, %shift_right_logical3A_136 : vector<16xi32>
      %and3A_138 = arith.constant 127 : i32
      %and3A_139 = vector.broadcast %and3A_138 : i32 to vector<16xi32>
      %and3A_140 = arith.andi %get3A_134, %and3A_139 : vector<16xi32>
      %broadcast_in_dim3A_141 = arith.constant true
      %broadcast_in_dim3A_142 = vector.broadcast %broadcast_in_dim3A_141 : i1 to vector<16xi1>
      %unique3A_143, %unique3A_144 = tpu.scan_count mask(%broadcast_in_dim3A_142 : vector<16xi1>) value(%get3A_134 : vector<16xi32>) : vector<16xi1>, vector<16xi32>
      tpu.vector_store_idx %arg14[%shift_right_logical3A_137, %and3A_140], %unique3A_144 masked %unique3A_143 {add = true} : memref<80x128xi32, #tpu.memory_space<vmem>>[vector<16xi32>, vector<16xi32>], vector<16xi32>, vector<16xi1>
      %get3A_145 = arith.index_cast %scan3A_103 : i32 to index
      %get3A_146 = arith.constant 48 : index
      %get3A_147 = tpu.vector_load %arg8[%get3A_145, %get3A_146] {strides = array<i32>} : memref<80x128xi32, #tpu.memory_space<vmem>>, vector<16xi32>,
      %shift_right_logical3A_148 = arith.constant 7 : i32
      %shift_right_logical3A_149 = vector.broadcast %shift_right_logical3A_148 : i32 to vector<16xi32>
      %shift_right_logical3A_150 = arith.shrui %get3A_147, %shift_right_logical3A_149 : vector<16xi32>
      %and3A_151 = arith.constant 127 : i32
      %and3A_152 = vector.broadcast %and3A_151 : i32 to vector<16xi32>
      %and3A_153 = arith.andi %get3A_147, %and3A_152 : vector<16xi32>
      %broadcast_in_dim3A_154 = arith.constant true
      %broadcast_in_dim3A_155 = vector.broadcast %broadcast_in_dim3A_154 : i1 to vector<16xi1>
      %unique3A_156, %unique3A_157 = tpu.scan_count mask(%broadcast_in_dim3A_155 : vector<16xi1>) value(%get3A_147 : vector<16xi32>) : vector<16xi1>, vector<16xi32>
      tpu.vector_store_idx %arg14[%shift_right_logical3A_150, %and3A_153], %unique3A_157 masked %unique3A_156 {add = true} : memref<80x128xi32, #tpu.memory_space<vmem>>[vector<16xi32>, vector<16xi32>], vector<16xi32>, vector<16xi1>
      %get3A_158 = arith.index_cast %scan3A_103 : i32 to index
      %get3A_159 = arith.constant 64 : index
      %get3A_160 = tpu.vector_load %arg8[%get3A_158, %get3A_159] {strides = array<i32>} : memref<80x128xi32, #tpu.memory_space<vmem>>, vector<16xi32>,
      %shift_right_logical3A_161 = arith.constant 7 : i32
      %shift_right_logical3A_162 = vector.broadcast %shift_right_logical3A_161 : i32 to vector<16xi32>
      %shift_right_logical3A_163 = arith.shrui %get3A_160, %shift_right_logical3A_162 : vector<16xi32>
      %and3A_164 = arith.constant 127 : i32
      %and3A_165 = vector.broadcast %and3A_164 : i32 to vector<16xi32>
      %and3A_166 = arith.andi %get3A_160, %and3A_165 : vector<16xi32>
      %broadcast_in_dim3A_167 = arith.constant true
      %broadcast_in_dim3A_168 = vector.broadcast %broadcast_in_dim3A_167 : i1 to vector<16xi1>
      %unique3A_169, %unique3A_170 = tpu.scan_count mask(%broadcast_in_dim3A_168 : vector<16xi1>) value(%get3A_160 : vector<16xi32>) : vector<16xi1>, vector<16xi32>
      tpu.vector_store_idx %arg14[%shift_right_logical3A_163, %and3A_166], %unique3A_170 masked %unique3A_169 {add = true} : memref<80x128xi32, #tpu.memory_space<vmem>>[vector<16xi32>, vector<16xi32>], vector<16xi32>, vector<16xi1>
      %get3A_171 = arith.index_cast %scan3A_103 : i32 to index
      %get3A_172 = arith.constant 80 : index
      %get3A_173 = tpu.vector_load %arg8[%get3A_171, %get3A_172] {strides = array<i32>} : memref<80x128xi32, #tpu.memory_space<vmem>>, vector<16xi32>,
      %shift_right_logical3A_174 = arith.constant 7 : i32
      %shift_right_logical3A_175 = vector.broadcast %shift_right_logical3A_174 : i32 to vector<16xi32>
      %shift_right_logical3A_176 = arith.shrui %get3A_173, %shift_right_logical3A_175 : vector<16xi32>
      %and3A_177 = arith.constant 127 : i32
      %and3A_178 = vector.broadcast %and3A_177 : i32 to vector<16xi32>
      %and3A_179 = arith.andi %get3A_173, %and3A_178 : vector<16xi32>
      %broadcast_in_dim3A_180 = arith.constant true
      %broadcast_in_dim3A_181 = vector.broadcast %broadcast_in_dim3A_180 : i1 to vector<16xi1>
      %unique3A_182, %unique3A_183 = tpu.scan_count mask(%broadcast_in_dim3A_181 : vector<16xi1>) value(%get3A_173 : vector<16xi32>) : vector<16xi1>, vector<16xi32>
      tpu.vector_store_idx %arg14[%shift_right_logical3A_176, %and3A_179], %unique3A_183 masked %unique3A_182 {add = true} : memref<80x128xi32, #tpu.memory_space<vmem>>[vector<16xi32>, vector<16xi32>], vector<16xi32>, vector<16xi1>
      %get3A_184 = arith.index_cast %scan3A_103 : i32 to index
      %get3A_185 = arith.constant 96 : index
      %get3A_186 = tpu.vector_load %arg8[%get3A_184, %get3A_185] {strides = array<i32>} : memref<80x128xi32, #tpu.memory_space<vmem>>, vector<16xi32>,
      %shift_right_logical3A_187 = arith.constant 7 : i32
      %shift_right_logical3A_188 = vector.broadcast %shift_right_logical3A_187 : i32 to vector<16xi32>
      %shift_right_logical3A_189 = arith.shrui %get3A_186, %shift_right_logical3A_188 : vector<16xi32>
      %and3A_190 = arith.constant 127 : i32
      %and3A_191 = vector.broadcast %and3A_190 : i32 to vector<16xi32>
      %and3A_192 = arith.andi %get3A_186, %and3A_191 : vector<16xi32>
      %broadcast_in_dim3A_193 = arith.constant true
      %broadcast_in_dim3A_194 = vector.broadcast %broadcast_in_dim3A_193 : i1 to vector<16xi1>
      %unique3A_195, %unique3A_196 = tpu.scan_count mask(%broadcast_in_dim3A_194 : vector<16xi1>) value(%get3A_186 : vector<16xi32>) : vector<16xi1>, vector<16xi32>
      tpu.vector_store_idx %arg14[%shift_right_logical3A_189, %and3A_192], %unique3A_196 masked %unique3A_195 {add = true} : memref<80x128xi32, #tpu.memory_space<vmem>>[vector<16xi32>, vector<16xi32>], vector<16xi32>, vector<16xi1>
      %get3A_197 = arith.index_cast %scan3A_103 : i32 to index
      %get3A_198 = arith.constant 112 : index
      %get3A_199 = tpu.vector_load %arg8[%get3A_197, %get3A_198] {strides = array<i32>} : memref<80x128xi32, #tpu.memory_space<vmem>>, vector<16xi32>,
      %shift_right_logical3A_200 = arith.constant 7 : i32
      %shift_right_logical3A_201 = vector.broadcast %shift_right_logical3A_200 : i32 to vector<16xi32>
      %shift_right_logical3A_202 = arith.shrui %get3A_199, %shift_right_logical3A_201 : vector<16xi32>
      %and3A_203 = arith.constant 127 : i32
      %and3A_204 = vector.broadcast %and3A_203 : i32 to vector<16xi32>
      %and3A_205 = arith.andi %get3A_199, %and3A_204 : vector<16xi32>
      %broadcast_in_dim3A_206 = arith.constant true
      %broadcast_in_dim3A_207 = vector.broadcast %broadcast_in_dim3A_206 : i1 to vector<16xi1>
      %unique3A_208, %unique3A_209 = tpu.scan_count mask(%broadcast_in_dim3A_207 : vector<16xi1>) value(%get3A_199 : vector<16xi32>) : vector<16xi1>, vector<16xi32>
      tpu.vector_store_idx %arg14[%shift_right_logical3A_202, %and3A_205], %unique3A_209 masked %unique3A_208 {add = true} : memref<80x128xi32, #tpu.memory_space<vmem>>[vector<16xi32>, vector<16xi32>], vector<16xi32>, vector<16xi1>
      %dma_wait3A_210 = arith.constant 0 : i32
      %dma_wait3A_211 = tpu.memref_slice %arg7[%scan3A_103, %dma_wait3A_210] : memref<80x128xi32, #tpu.memory_space<vmem>> -> memref<1x128xi32, #tpu.memory_space<vmem>>
      %dma_wait3A_212 = tpu.memref_squeeze %dma_wait3A_211 : memref<1x128xi32, #tpu.memory_space<vmem>> -> memref<128xi32, #tpu.memory_space<vmem>>
      %dma_wait3A_213 = arith.constant 0 : i32
      %dma_wait3A_214 = arith.constant 0 : i32
      %dma_wait3A_215 = tpu.memref_slice %arg2[%dma_wait3A_213, %dma_wait3A_214] : memref<10000x128xf32, #tpu.memory_space<hbm>> -> memref<10000x128xf32, #tpu.memory_space<hbm>>
      tpu.wait_indirect_dma semaphore(%arg13 : memref<!tpu.dma_semaphore, #tpu.memory_space<semaphore_mem>>) src(%dma_wait3A_215 : memref<10000x128xf32, #tpu.memory_space<hbm>>) dst(%arg9 : memref<128x128xf32, #tpu.memory_space<vmem>>)
      "tpu.region"() ({
        %run_scoped3A = tpu.sem_alloc : memref<!tpu.dma_semaphore, #tpu.memory_space<semaphore_mem>>
        %dma_start3A_216 = arith.constant 0 : i32
        %dma_start3A_217 = tpu.memref_slice %arg8[%scan3A_103, %dma_start3A_216] : memref<80x128xi32, #tpu.memory_space<vmem>> -> memref<1x128xi32, #tpu.memory_space<vmem>>
        %dma_start3A_218 = tpu.memref_squeeze %dma_start3A_217 : memref<1x128xi32, #tpu.memory_space<vmem>> -> memref<128xi32, #tpu.memory_space<vmem>>
        %dma_start3A_219 = arith.constant 0 : i32
        %dma_start3A_220 = arith.constant 0 : i32
        %dma_start3A_221 = tpu.memref_slice %arg10[%dma_start3A_219, %dma_start3A_220] : memref<10240x128xf32, #tpu.memory_space<vmem_shared>> -> memref<10240x128xf32, #tpu.memory_space<vmem_shared>>
        tpu.enqueue_indirect_dma source(%arg9 : memref<128x128xf32, #tpu.memory_space<vmem>>) target(%dma_start3A_221 : memref<10240x128xf32, #tpu.memory_space<vmem_shared>>) offsets(%dma_start3A_218 : memref<128xi32, #tpu.memory_space<vmem>>) semaphore(%run_scoped3A : memref<!tpu.dma_semaphore, #tpu.memory_space<semaphore_mem>>) {add = true}
        %dma_wait3A_222 = arith.constant 0 : i32
        %dma_wait3A_223 = tpu.memref_slice %arg8[%scan3A_103, %dma_wait3A_222] : memref<80x128xi32, #tpu.memory_space<vmem>> -> memref<1x128xi32, #tpu.memory_space<vmem>>
        %dma_wait3A_224 = tpu.memref_squeeze %dma_wait3A_223 : memref<1x128xi32, #tpu.memory_space<vmem>> -> memref<128xi32, #tpu.memory_space<vmem>>
        %dma_wait3A_225 = arith.constant 0 : i32
        %dma_wait3A_226 = arith.constant 0 : i32
        %dma_wait3A_227 = tpu.memref_slice %arg10[%dma_wait3A_225, %dma_wait3A_226] : memref<10240x128xf32, #tpu.memory_space<vmem_shared>> -> memref<10240x128xf32, #tpu.memory_space<vmem_shared>>
        tpu.wait_indirect_dma semaphore(%run_scoped3A : memref<!tpu.dma_semaphore, #tpu.memory_space<semaphore_mem>>) src(%arg9 : memref<128x128xf32, #tpu.memory_space<vmem>>) dst(%dma_wait3A_227 : memref<10240x128xf32, #tpu.memory_space<vmem_shared>>)
        tpu.yield
      }) : () -> ()
    }
    %scan3A_92 = arith.constant 80 : i32
    "tpu.region"() ({
      %run_scoped3A = tpu.sem_alloc : memref<!tpu.dma_semaphore, #tpu.memory_space<semaphore_mem>>
      %dma_start3A_103 = arith.constant 0 : i32
      %dma_start3A_104 = arith.constant 0 : i32
      %dma_start3A_105 = tpu.memref_slice %arg16[%dma_start3A_103, %dma_start3A_104] : memref<80x128xi32, #tpu.memory_space<vmem_shared>> -> memref<80x128xi32, #tpu.memory_space<vmem_shared>>
      tpu.enqueue_indirect_dma source(%arg14 : memref<80x128xi32, #tpu.memory_space<vmem>>) target(%dma_start3A_105 : memref<80x128xi32, #tpu.memory_space<vmem_shared>>) offsets(%arg15 : memref<80xi32, #tpu.memory_space<vmem>>) semaphore(%run_scoped3A : memref<!tpu.dma_semaphore, #tpu.memory_space<semaphore_mem>>) {add = true}
      %dma_wait3A_106 = arith.constant 0 : i32
      %dma_wait3A_107 = arith.constant 0 : i32
      %dma_wait3A_108 = tpu.memref_slice %arg16[%dma_wait3A_106, %dma_wait3A_107] : memref<80x128xi32, #tpu.memory_space<vmem_shared>> -> memref<80x128xi32, #tpu.memory_space<vmem_shared>>
      tpu.wait_indirect_dma semaphore(%run_scoped3A : memref<!tpu.dma_semaphore, #tpu.memory_space<semaphore_mem>>) src(%arg14 : memref<80x128xi32, #tpu.memory_space<vmem>>) dst(%dma_wait3A_108 : memref<80x128xi32, #tpu.memory_space<vmem_shared>>)
      tpu.yield
    }) : () -> ()
    %barrier3A_93 = arith.constant 0 : index
    tpu.barrier barrier_id(%barrier3A_93)
    %mul3A_94 = arith.constant 640 : i32
    %mul3A_95 = arith.muli %arg1, %mul3A_94 : i32
    %mul3A_96 = arith.constant 640 : i32
    %mul3A_97 = arith.muli %arg1, %mul3A_96 : i32
    "tpu.region"() ({
      %run_scoped3A = tpu.sem_alloc : memref<!tpu.dma_semaphore, #tpu.memory_space<semaphore_mem>>
      %dma_start3A_103 = arith.constant 0 : i32
      %dma_start3A_104 = tpu.memref_slice %arg5[%arg0, %mul3A_97, %dma_start3A_103] : memref<2x10240x128xf32, #tpu.memory_space<hbm>> -> memref<1x640x128xf32, #tpu.memory_space<hbm>>
      %dma_start3A_105 = tpu.memref_squeeze %dma_start3A_104 : memref<1x640x128xf32, #tpu.memory_space<hbm>> -> memref<640x128xf32, #tpu.memory_space<hbm>>
      %dma_start3A_106 = arith.constant 0 : i32
      %dma_start3A_107 = tpu.memref_slice %arg10[%mul3A_95, %dma_start3A_106] : memref<10240x128xf32, #tpu.memory_space<vmem_shared>> -> memref<640x128xf32, #tpu.memory_space<vmem_shared>>
      tpu.enqueue_dma source(%dma_start3A_107 : memref<640x128xf32, #tpu.memory_space<vmem_shared>>) target(%dma_start3A_105 : memref<640x128xf32, #tpu.memory_space<hbm>>) target_semaphore(%run_scoped3A : memref<!tpu.dma_semaphore, #tpu.memory_space<semaphore_mem>>)
      %dma_wait3A_108 = arith.constant 0 : i32
      %dma_wait3A_109 = tpu.memref_slice %arg5[%arg0, %mul3A_97, %dma_wait3A_108] : memref<2x10240x128xf32, #tpu.memory_space<hbm>> -> memref<1x640x128xf32, #tpu.memory_space<hbm>>
      %dma_wait3A_110 = tpu.memref_squeeze %dma_wait3A_109 : memref<1x640x128xf32, #tpu.memory_space<hbm>> -> memref<640x128xf32, #tpu.memory_space<hbm>>
      %dma_wait3A_111 = arith.constant 0 : i32
      %dma_wait3A_112 = tpu.memref_slice %arg10[%mul3A_95, %dma_wait3A_111] : memref<10240x128xf32, #tpu.memory_space<vmem_shared>> -> memref<640x128xf32, #tpu.memory_space<vmem_shared>>
      tpu.wait_dma2 semaphore(%run_scoped3A : memref<!tpu.dma_semaphore, #tpu.memory_space<semaphore_mem>>) src(%dma_wait3A_112 : memref<640x128xf32, #tpu.memory_space<vmem_shared>>) dst(%dma_wait3A_110 : memref<640x128xf32, #tpu.memory_space<hbm>>)
      tpu.yield
    }) : () -> ()
    %lt3A_98 = arith.constant 10 : i32
    %lt3A_99 = arith.cmpi slt, %arg1, %lt3A_98 : i32
    %convert_element_type3A_100 = arith.extui %lt3A_99 : i1 to i32
    %cond3A_101 = arith.constant 0 : i32
    %cond3A_102 = arith.cmpi ne, %convert_element_type3A_100, %cond3A_101 : i32
    scf.if %cond3A_102 {
      %mul3A_103 = arith.constant 8 : i32
      %mul3A_104 = arith.muli %arg1, %mul3A_103 : i32
      %mul3A_105 = arith.constant 8 : i32
      %mul3A_106 = arith.muli %arg1, %mul3A_105 : i32
      "tpu.region"() ({
        %run_scoped3A = tpu.sem_alloc : memref<!tpu.dma_semaphore, #tpu.memory_space<semaphore_mem>>
        %dma_start3A_107 = arith.constant 0 : i32
        %dma_start3A_108 = tpu.memref_slice %arg6[%arg0, %mul3A_106, %dma_start3A_107] : memref<2x80x128xi32, #tpu.memory_space<hbm>> -> memref<1x8x128xi32, #tpu.memory_space<hbm>>
        %dma_start3A_109 = tpu.memref_squeeze %dma_start3A_108 : memref<1x8x128xi32, #tpu.memory_space<hbm>> -> memref<8x128xi32, #tpu.memory_space<hbm>>
        %dma_start3A_110 = arith.constant 0 : i32
        %dma_start3A_111 = tpu.memref_slice %arg16[%mul3A_104, %dma_start3A_110] : memref<80x128xi32, #tpu.memory_space<vmem_shared>> -> memref<8x128xi32, #tpu.memory_space<vmem_shared>>
        tpu.enqueue_dma source(%dma_start3A_111 : memref<8x128xi32, #tpu.memory_space<vmem_shared>>) target(%dma_start3A_109 : memref<8x128xi32, #tpu.memory_space<hbm>>) target_semaphore(%run_scoped3A : memref<!tpu.dma_semaphore, #tpu.memory_space<semaphore_mem>>)
        %dma_wait3A_112 = arith.constant 0 : i32
        %dma_wait3A_113 = tpu.memref_slice %arg6[%arg0, %mul3A_106, %dma_wait3A_112] : memref<2x80x128xi32, #tpu.memory_space<hbm>> -> memref<1x8x128xi32, #tpu.memory_space<hbm>>
        %dma_wait3A_114 = tpu.memref_squeeze %dma_wait3A_113 : memref<1x8x128xi32, #tpu.memory_space<hbm>> -> memref<8x128xi32, #tpu.memory_space<hbm>>
        %dma_wait3A_115 = arith.constant 0 : i32
        %dma_wait3A_116 = tpu.memref_slice %arg16[%mul3A_104, %dma_wait3A_115] : memref<80x128xi32, #tpu.memory_space<vmem_shared>> -> memref<8x128xi32, #tpu.memory_space<vmem_shared>>
        tpu.wait_dma2 semaphore(%run_scoped3A : memref<!tpu.dma_semaphore, #tpu.memory_space<semaphore_mem>>) src(%dma_wait3A_116 : memref<8x128xi32, #tpu.memory_space<vmem_shared>>) dst(%dma_wait3A_114 : memref<8x128xi32, #tpu.memory_space<hbm>>)
        tpu.yield
      }) : () -> ()
    } else {
    }
    return
  }
}

#map = affine_map<(d0, d1) -> (0, 0)>
#map1 = affine_map<(d0, d1) -> (0, 0, 0)>
module attributes {stable_mosaic.version = 14 : i64} {
  func.func @sc_agg(%arg0: i32, %arg1: i32, %arg2: memref<10000x128xf32, #tpu.memory_space<hbm>>, %arg3: memref<2560x128xi32, #tpu.memory_space<hbm>>, %arg4: memref<2560x128xi32, #tpu.memory_space<hbm>>, %arg5: memref<2x10240x128xf32, #tpu.memory_space<hbm>>, %arg6: memref<80x128xi32, #tpu.memory_space<vmem>>, %arg7: memref<80x128xi32, #tpu.memory_space<vmem>>, %arg8: memref<128x128xf32, #tpu.memory_space<vmem>>, %arg9: memref<10240x128xf32, #tpu.memory_space<vmem_shared>>, %arg10: memref<!tpu.dma_semaphore, #tpu.memory_space<semaphore_mem>>, %arg11: memref<!tpu.dma_semaphore, #tpu.memory_space<semaphore_mem>>, %arg12: memref<!tpu.dma_semaphore, #tpu.memory_space<semaphore_mem>>) attributes {dimension_semantics = [#tpu.dimension_semantics<core_parallel>, #tpu.dimension_semantics<subcore_parallel>], iteration_bounds = array<i64: 2, 16>, scalar_prefetch = 0 : i64, scratch_operands = 7 : i64, tpu.core_type = #tpu.core_type<sc_vector_subcore>, window_params = [{transform_indices = #map}, {transform_indices = #map}, {transform_indices = #map}, {transform_indices = #map1}]} {
    %mul3A = arith.constant 16 : i32
    %mul3A_0 = arith.muli %arg0, %mul3A : i32
    %add3A = arith.addi %mul3A_0, %arg1 : i32
    %mul3A_1 = arith.constant 80 : i32
    %mul3A_2 = arith.muli %add3A, %mul3A_1 : i32
    %dma_start3A = arith.constant 0 : i32
    %dma_start3A_3 = tpu.memref_slice %arg3[%mul3A_2, %dma_start3A] : memref<2560x128xi32, #tpu.memory_space<hbm>> -> memref<80x128xi32, #tpu.memory_space<hbm>>
    %dma_start3A_4 = arith.constant 0 : i32
    %dma_start3A_5 = tpu.memref_slice %arg3[%mul3A_2, %dma_start3A_4] : memref<2560x128xi32, #tpu.memory_space<hbm>> -> memref<80x128xi32, #tpu.memory_space<hbm>>
    tpu.enqueue_dma source(%dma_start3A_5 : memref<80x128xi32, #tpu.memory_space<hbm>>) target(%arg6 : memref<80x128xi32, #tpu.memory_space<vmem>>) target_semaphore(%arg10 : memref<!tpu.dma_semaphore, #tpu.memory_space<semaphore_mem>>)
    %mul3A_6 = arith.constant 80 : i32
    %mul3A_7 = arith.muli %add3A, %mul3A_6 : i32
    %dma_start3A_8 = arith.constant 0 : i32
    %dma_start3A_9 = tpu.memref_slice %arg4[%mul3A_7, %dma_start3A_8] : memref<2560x128xi32, #tpu.memory_space<hbm>> -> memref<80x128xi32, #tpu.memory_space<hbm>>
    %dma_start3A_10 = arith.constant 0 : i32
    %dma_start3A_11 = tpu.memref_slice %arg4[%mul3A_7, %dma_start3A_10] : memref<2560x128xi32, #tpu.memory_space<hbm>> -> memref<80x128xi32, #tpu.memory_space<hbm>>
    tpu.enqueue_dma source(%dma_start3A_11 : memref<80x128xi32, #tpu.memory_space<hbm>>) target(%arg7 : memref<80x128xi32, #tpu.memory_space<vmem>>) target_semaphore(%arg11 : memref<!tpu.dma_semaphore, #tpu.memory_space<semaphore_mem>>)
    %broadcast_in_dim3A = arith.constant 0.000000e+00 : f32
    %broadcast_in_dim3A_12 = vector.broadcast %broadcast_in_dim3A : f32 to vector<16xf32>
    %scan3A = arith.constant 0 : i32
    %scan3A_13 = arith.constant 0 : i32
    %scan3A_14 = arith.constant 128 : i32
    %scan3A_15 = arith.addi %scan3A_13, %scan3A_14 : i32
    %scan3A_16 = arith.constant 1 : i32
    scf.for %scan3A_60 = %scan3A_13 to %scan3A_15 step %scan3A_16  : i32 {
      %scan3A_61 = arith.constant 0 : i32
      %scan3A_62 = arith.constant 8 : i32
      %scan3A_63 = arith.addi %scan3A_61, %scan3A_62 : i32
      %scan3A_64 = arith.constant 1 : i32
      scf.for %scan3A_66 = %scan3A_61 to %scan3A_63 step %scan3A_64  : i32 {
        %mul3A_67 = arith.constant 16 : i32
        %mul3A_68 = arith.muli %scan3A_66, %mul3A_67 : i32
        %swap3A = arith.index_cast %scan3A_60 : i32 to index
        %swap3A_69 = arith.index_cast %mul3A_68 : i32 to index
        %swap3A_70 = tpu.vector_load %arg8[%swap3A, %swap3A_69] {strides = array<i32>} : memref<128x128xf32, #tpu.memory_space<vmem>>, vector<16xf32>,
        tpu.vector_store %arg8[%swap3A, %swap3A_69], %broadcast_in_dim3A_12 {strides = array<i32>} : memref<128x128xf32, #tpu.memory_space<vmem>>, vector<16xf32>,
      }
      %scan3A_65 = arith.constant 8 : i32
    }
    %scan3A_17 = arith.constant 128 : i32
    %mul3A_18 = arith.constant 640 : i32
    %mul3A_19 = arith.muli %arg1, %mul3A_18 : i32
    %add3A_20 = arith.constant 0 : i32
    %add3A_21 = arith.addi %mul3A_19, %add3A_20 : i32
    "tpu.region"() ({
      %run_scoped3A = tpu.sem_alloc : memref<!tpu.dma_semaphore, #tpu.memory_space<semaphore_mem>>
      %dma_start3A_60 = arith.constant 0 : i32
      %dma_start3A_61 = tpu.memref_slice %arg9[%add3A_21, %dma_start3A_60] : memref<10240x128xf32, #tpu.memory_space<vmem_shared>> -> memref<128x128xf32, #tpu.memory_space<vmem_shared>>
      %dma_start3A_62 = arith.constant 0 : i32
      %dma_start3A_63 = tpu.memref_slice %arg9[%add3A_21, %dma_start3A_62] : memref<10240x128xf32, #tpu.memory_space<vmem_shared>> -> memref<128x128xf32, #tpu.memory_space<vmem_shared>>
      tpu.enqueue_dma source(%arg8 : memref<128x128xf32, #tpu.memory_space<vmem>>) target(%dma_start3A_63 : memref<128x128xf32, #tpu.memory_space<vmem_shared>>) target_semaphore(%run_scoped3A : memref<!tpu.dma_semaphore, #tpu.memory_space<semaphore_mem>>)
      %dma_wait3A_64 = arith.constant 0 : i32
      %dma_wait3A_65 = tpu.memref_slice %arg9[%add3A_21, %dma_wait3A_64] : memref<10240x128xf32, #tpu.memory_space<vmem_shared>> -> memref<128x128xf32, #tpu.memory_space<vmem_shared>>
      %dma_wait3A_66 = arith.constant 0 : i32
      %dma_wait3A_67 = tpu.memref_slice %arg9[%add3A_21, %dma_wait3A_66] : memref<10240x128xf32, #tpu.memory_space<vmem_shared>> -> memref<128x128xf32, #tpu.memory_space<vmem_shared>>
      tpu.wait_dma2 semaphore(%run_scoped3A : memref<!tpu.dma_semaphore, #tpu.memory_space<semaphore_mem>>) src(%arg8 : memref<128x128xf32, #tpu.memory_space<vmem>>) dst(%dma_wait3A_67 : memref<128x128xf32, #tpu.memory_space<vmem_shared>>)
      tpu.yield
    }) : () -> ()
    %mul3A_22 = arith.constant 640 : i32
    %mul3A_23 = arith.muli %arg1, %mul3A_22 : i32
    %add3A_24 = arith.constant 128 : i32
    %add3A_25 = arith.addi %mul3A_23, %add3A_24 : i32
    "tpu.region"() ({
      %run_scoped3A = tpu.sem_alloc : memref<!tpu.dma_semaphore, #tpu.memory_space<semaphore_mem>>
      %dma_start3A_60 = arith.constant 0 : i32
      %dma_start3A_61 = tpu.memref_slice %arg9[%add3A_25, %dma_start3A_60] : memref<10240x128xf32, #tpu.memory_space<vmem_shared>> -> memref<128x128xf32, #tpu.memory_space<vmem_shared>>
      %dma_start3A_62 = arith.constant 0 : i32
      %dma_start3A_63 = tpu.memref_slice %arg9[%add3A_25, %dma_start3A_62] : memref<10240x128xf32, #tpu.memory_space<vmem_shared>> -> memref<128x128xf32, #tpu.memory_space<vmem_shared>>
      tpu.enqueue_dma source(%arg8 : memref<128x128xf32, #tpu.memory_space<vmem>>) target(%dma_start3A_63 : memref<128x128xf32, #tpu.memory_space<vmem_shared>>) target_semaphore(%run_scoped3A : memref<!tpu.dma_semaphore, #tpu.memory_space<semaphore_mem>>)
      %dma_wait3A_64 = arith.constant 0 : i32
      %dma_wait3A_65 = tpu.memref_slice %arg9[%add3A_25, %dma_wait3A_64] : memref<10240x128xf32, #tpu.memory_space<vmem_shared>> -> memref<128x128xf32, #tpu.memory_space<vmem_shared>>
      %dma_wait3A_66 = arith.constant 0 : i32
      %dma_wait3A_67 = tpu.memref_slice %arg9[%add3A_25, %dma_wait3A_66] : memref<10240x128xf32, #tpu.memory_space<vmem_shared>> -> memref<128x128xf32, #tpu.memory_space<vmem_shared>>
      tpu.wait_dma2 semaphore(%run_scoped3A : memref<!tpu.dma_semaphore, #tpu.memory_space<semaphore_mem>>) src(%arg8 : memref<128x128xf32, #tpu.memory_space<vmem>>) dst(%dma_wait3A_67 : memref<128x128xf32, #tpu.memory_space<vmem_shared>>)
      tpu.yield
    }) : () -> ()
    %mul3A_26 = arith.constant 640 : i32
    %mul3A_27 = arith.muli %arg1, %mul3A_26 : i32
    %add3A_28 = arith.constant 256 : i32
    %add3A_29 = arith.addi %mul3A_27, %add3A_28 : i32
    "tpu.region"() ({
      %run_scoped3A = tpu.sem_alloc : memref<!tpu.dma_semaphore, #tpu.memory_space<semaphore_mem>>
      %dma_start3A_60 = arith.constant 0 : i32
      %dma_start3A_61 = tpu.memref_slice %arg9[%add3A_29, %dma_start3A_60] : memref<10240x128xf32, #tpu.memory_space<vmem_shared>> -> memref<128x128xf32, #tpu.memory_space<vmem_shared>>
      %dma_start3A_62 = arith.constant 0 : i32
      %dma_start3A_63 = tpu.memref_slice %arg9[%add3A_29, %dma_start3A_62] : memref<10240x128xf32, #tpu.memory_space<vmem_shared>> -> memref<128x128xf32, #tpu.memory_space<vmem_shared>>
      tpu.enqueue_dma source(%arg8 : memref<128x128xf32, #tpu.memory_space<vmem>>) target(%dma_start3A_63 : memref<128x128xf32, #tpu.memory_space<vmem_shared>>) target_semaphore(%run_scoped3A : memref<!tpu.dma_semaphore, #tpu.memory_space<semaphore_mem>>)
      %dma_wait3A_64 = arith.constant 0 : i32
      %dma_wait3A_65 = tpu.memref_slice %arg9[%add3A_29, %dma_wait3A_64] : memref<10240x128xf32, #tpu.memory_space<vmem_shared>> -> memref<128x128xf32, #tpu.memory_space<vmem_shared>>
      %dma_wait3A_66 = arith.constant 0 : i32
      %dma_wait3A_67 = tpu.memref_slice %arg9[%add3A_29, %dma_wait3A_66] : memref<10240x128xf32, #tpu.memory_space<vmem_shared>> -> memref<128x128xf32, #tpu.memory_space<vmem_shared>>
      tpu.wait_dma2 semaphore(%run_scoped3A : memref<!tpu.dma_semaphore, #tpu.memory_space<semaphore_mem>>) src(%arg8 : memref<128x128xf32, #tpu.memory_space<vmem>>) dst(%dma_wait3A_67 : memref<128x128xf32, #tpu.memory_space<vmem_shared>>)
      tpu.yield
    }) : () -> ()
    %mul3A_30 = arith.constant 640 : i32
    %mul3A_31 = arith.muli %arg1, %mul3A_30 : i32
    %add3A_32 = arith.constant 384 : i32
    %add3A_33 = arith.addi %mul3A_31, %add3A_32 : i32
    "tpu.region"() ({
      %run_scoped3A = tpu.sem_alloc : memref<!tpu.dma_semaphore, #tpu.memory_space<semaphore_mem>>
      %dma_start3A_60 = arith.constant 0 : i32
      %dma_start3A_61 = tpu.memref_slice %arg9[%add3A_33, %dma_start3A_60] : memref<10240x128xf32, #tpu.memory_space<vmem_shared>> -> memref<128x128xf32, #tpu.memory_space<vmem_shared>>
      %dma_start3A_62 = arith.constant 0 : i32
      %dma_start3A_63 = tpu.memref_slice %arg9[%add3A_33, %dma_start3A_62] : memref<10240x128xf32, #tpu.memory_space<vmem_shared>> -> memref<128x128xf32, #tpu.memory_space<vmem_shared>>
      tpu.enqueue_dma source(%arg8 : memref<128x128xf32, #tpu.memory_space<vmem>>) target(%dma_start3A_63 : memref<128x128xf32, #tpu.memory_space<vmem_shared>>) target_semaphore(%run_scoped3A : memref<!tpu.dma_semaphore, #tpu.memory_space<semaphore_mem>>)
      %dma_wait3A_64 = arith.constant 0 : i32
      %dma_wait3A_65 = tpu.memref_slice %arg9[%add3A_33, %dma_wait3A_64] : memref<10240x128xf32, #tpu.memory_space<vmem_shared>> -> memref<128x128xf32, #tpu.memory_space<vmem_shared>>
      %dma_wait3A_66 = arith.constant 0 : i32
      %dma_wait3A_67 = tpu.memref_slice %arg9[%add3A_33, %dma_wait3A_66] : memref<10240x128xf32, #tpu.memory_space<vmem_shared>> -> memref<128x128xf32, #tpu.memory_space<vmem_shared>>
      tpu.wait_dma2 semaphore(%run_scoped3A : memref<!tpu.dma_semaphore, #tpu.memory_space<semaphore_mem>>) src(%arg8 : memref<128x128xf32, #tpu.memory_space<vmem>>) dst(%dma_wait3A_67 : memref<128x128xf32, #tpu.memory_space<vmem_shared>>)
      tpu.yield
    }) : () -> ()
    %mul3A_34 = arith.constant 640 : i32
    %mul3A_35 = arith.muli %arg1, %mul3A_34 : i32
    %add3A_36 = arith.constant 512 : i32
    %add3A_37 = arith.addi %mul3A_35, %add3A_36 : i32
    "tpu.region"() ({
      %run_scoped3A = tpu.sem_alloc : memref<!tpu.dma_semaphore, #tpu.memory_space<semaphore_mem>>
      %dma_start3A_60 = arith.constant 0 : i32
      %dma_start3A_61 = tpu.memref_slice %arg9[%add3A_37, %dma_start3A_60] : memref<10240x128xf32, #tpu.memory_space<vmem_shared>> -> memref<128x128xf32, #tpu.memory_space<vmem_shared>>
      %dma_start3A_62 = arith.constant 0 : i32
      %dma_start3A_63 = tpu.memref_slice %arg9[%add3A_37, %dma_start3A_62] : memref<10240x128xf32, #tpu.memory_space<vmem_shared>> -> memref<128x128xf32, #tpu.memory_space<vmem_shared>>
      tpu.enqueue_dma source(%arg8 : memref<128x128xf32, #tpu.memory_space<vmem>>) target(%dma_start3A_63 : memref<128x128xf32, #tpu.memory_space<vmem_shared>>) target_semaphore(%run_scoped3A : memref<!tpu.dma_semaphore, #tpu.memory_space<semaphore_mem>>)
      %dma_wait3A_64 = arith.constant 0 : i32
      %dma_wait3A_65 = tpu.memref_slice %arg9[%add3A_37, %dma_wait3A_64] : memref<10240x128xf32, #tpu.memory_space<vmem_shared>> -> memref<128x128xf32, #tpu.memory_space<vmem_shared>>
      %dma_wait3A_66 = arith.constant 0 : i32
      %dma_wait3A_67 = tpu.memref_slice %arg9[%add3A_37, %dma_wait3A_66] : memref<10240x128xf32, #tpu.memory_space<vmem_shared>> -> memref<128x128xf32, #tpu.memory_space<vmem_shared>>
      tpu.wait_dma2 semaphore(%run_scoped3A : memref<!tpu.dma_semaphore, #tpu.memory_space<semaphore_mem>>) src(%arg8 : memref<128x128xf32, #tpu.memory_space<vmem>>) dst(%dma_wait3A_67 : memref<128x128xf32, #tpu.memory_space<vmem_shared>>)
      tpu.yield
    }) : () -> ()
    %barrier3A = arith.constant 0 : index
    tpu.barrier barrier_id(%barrier3A)
    %mul3A_38 = arith.constant 80 : i32
    %mul3A_39 = arith.muli %add3A, %mul3A_38 : i32
    %dma_wait3A = arith.constant 0 : i32
    %dma_wait3A_40 = tpu.memref_slice %arg3[%mul3A_39, %dma_wait3A] : memref<2560x128xi32, #tpu.memory_space<hbm>> -> memref<80x128xi32, #tpu.memory_space<hbm>>
    %dma_wait3A_41 = arith.constant 0 : i32
    %dma_wait3A_42 = tpu.memref_slice %arg3[%mul3A_39, %dma_wait3A_41] : memref<2560x128xi32, #tpu.memory_space<hbm>> -> memref<80x128xi32, #tpu.memory_space<hbm>>
    tpu.wait_dma2 semaphore(%arg10 : memref<!tpu.dma_semaphore, #tpu.memory_space<semaphore_mem>>) src(%dma_wait3A_42 : memref<80x128xi32, #tpu.memory_space<hbm>>) dst(%arg6 : memref<80x128xi32, #tpu.memory_space<vmem>>)
    %mul3A_43 = arith.constant 80 : i32
    %mul3A_44 = arith.muli %add3A, %mul3A_43 : i32
    %dma_wait3A_45 = arith.constant 0 : i32
    %dma_wait3A_46 = tpu.memref_slice %arg4[%mul3A_44, %dma_wait3A_45] : memref<2560x128xi32, #tpu.memory_space<hbm>> -> memref<80x128xi32, #tpu.memory_space<hbm>>
    %dma_wait3A_47 = arith.constant 0 : i32
    %dma_wait3A_48 = tpu.memref_slice %arg4[%mul3A_44, %dma_wait3A_47] : memref<2560x128xi32, #tpu.memory_space<hbm>> -> memref<80x128xi32, #tpu.memory_space<hbm>>
    tpu.wait_dma2 semaphore(%arg11 : memref<!tpu.dma_semaphore, #tpu.memory_space<semaphore_mem>>) src(%dma_wait3A_48 : memref<80x128xi32, #tpu.memory_space<hbm>>) dst(%arg7 : memref<80x128xi32, #tpu.memory_space<vmem>>)
    %scan3A_49 = arith.constant 0 : i32
    %scan3A_50 = arith.constant 0 : i32
    %scan3A_51 = arith.constant 80 : i32
    %scan3A_52 = arith.addi %scan3A_50, %scan3A_51 : i32
    %scan3A_53 = arith.constant 1 : i32
    scf.for %scan3A_60 = %scan3A_50 to %scan3A_52 step %scan3A_53  : i32 {
      %dma_start3A_61 = arith.constant 0 : i32
      %dma_start3A_62 = tpu.memref_slice %arg6[%scan3A_60, %dma_start3A_61] : memref<80x128xi32, #tpu.memory_space<vmem>> -> memref<1x128xi32, #tpu.memory_space<vmem>>
      %dma_start3A_63 = tpu.memref_squeeze %dma_start3A_62 : memref<1x128xi32, #tpu.memory_space<vmem>> -> memref<128xi32, #tpu.memory_space<vmem>>
      %dma_start3A_64 = arith.constant 0 : i32
      %dma_start3A_65 = arith.constant 0 : i32
      %dma_start3A_66 = tpu.memref_slice %arg2[%dma_start3A_64, %dma_start3A_65] : memref<10000x128xf32, #tpu.memory_space<hbm>> -> memref<10000x128xf32, #tpu.memory_space<hbm>>
      tpu.enqueue_indirect_dma source(%dma_start3A_66 : memref<10000x128xf32, #tpu.memory_space<hbm>>) target(%arg8 : memref<128x128xf32, #tpu.memory_space<vmem>>) offsets(%dma_start3A_63 : memref<128xi32, #tpu.memory_space<vmem>>) semaphore(%arg12 : memref<!tpu.dma_semaphore, #tpu.memory_space<semaphore_mem>>)
      %dma_wait3A_67 = arith.constant 0 : i32
      %dma_wait3A_68 = tpu.memref_slice %arg6[%scan3A_60, %dma_wait3A_67] : memref<80x128xi32, #tpu.memory_space<vmem>> -> memref<1x128xi32, #tpu.memory_space<vmem>>
      %dma_wait3A_69 = tpu.memref_squeeze %dma_wait3A_68 : memref<1x128xi32, #tpu.memory_space<vmem>> -> memref<128xi32, #tpu.memory_space<vmem>>
      %dma_wait3A_70 = arith.constant 0 : i32
      %dma_wait3A_71 = arith.constant 0 : i32
      %dma_wait3A_72 = tpu.memref_slice %arg2[%dma_wait3A_70, %dma_wait3A_71] : memref<10000x128xf32, #tpu.memory_space<hbm>> -> memref<10000x128xf32, #tpu.memory_space<hbm>>
      tpu.wait_indirect_dma semaphore(%arg12 : memref<!tpu.dma_semaphore, #tpu.memory_space<semaphore_mem>>) src(%dma_wait3A_72 : memref<10000x128xf32, #tpu.memory_space<hbm>>) dst(%arg8 : memref<128x128xf32, #tpu.memory_space<vmem>>)
      "tpu.region"() ({
        %run_scoped3A = tpu.sem_alloc : memref<!tpu.dma_semaphore, #tpu.memory_space<semaphore_mem>>
        %dma_start3A_73 = arith.constant 0 : i32
        %dma_start3A_74 = tpu.memref_slice %arg7[%scan3A_60, %dma_start3A_73] : memref<80x128xi32, #tpu.memory_space<vmem>> -> memref<1x128xi32, #tpu.memory_space<vmem>>
        %dma_start3A_75 = tpu.memref_squeeze %dma_start3A_74 : memref<1x128xi32, #tpu.memory_space<vmem>> -> memref<128xi32, #tpu.memory_space<vmem>>
        %dma_start3A_76 = arith.constant 0 : i32
        %dma_start3A_77 = arith.constant 0 : i32
        %dma_start3A_78 = tpu.memref_slice %arg9[%dma_start3A_76, %dma_start3A_77] : memref<10240x128xf32, #tpu.memory_space<vmem_shared>> -> memref<10240x128xf32, #tpu.memory_space<vmem_shared>>
        tpu.enqueue_indirect_dma source(%arg8 : memref<128x128xf32, #tpu.memory_space<vmem>>) target(%dma_start3A_78 : memref<10240x128xf32, #tpu.memory_space<vmem_shared>>) offsets(%dma_start3A_75 : memref<128xi32, #tpu.memory_space<vmem>>) semaphore(%run_scoped3A : memref<!tpu.dma_semaphore, #tpu.memory_space<semaphore_mem>>) {add = true}
        %dma_wait3A_79 = arith.constant 0 : i32
        %dma_wait3A_80 = tpu.memref_slice %arg7[%scan3A_60, %dma_wait3A_79] : memref<80x128xi32, #tpu.memory_space<vmem>> -> memref<1x128xi32, #tpu.memory_space<vmem>>
        %dma_wait3A_81 = tpu.memref_squeeze %dma_wait3A_80 : memref<1x128xi32, #tpu.memory_space<vmem>> -> memref<128xi32, #tpu.memory_space<vmem>>
        %dma_wait3A_82 = arith.constant 0 : i32
        %dma_wait3A_83 = arith.constant 0 : i32
        %dma_wait3A_84 = tpu.memref_slice %arg9[%dma_wait3A_82, %dma_wait3A_83] : memref<10240x128xf32, #tpu.memory_space<vmem_shared>> -> memref<10240x128xf32, #tpu.memory_space<vmem_shared>>
        tpu.wait_indirect_dma semaphore(%run_scoped3A : memref<!tpu.dma_semaphore, #tpu.memory_space<semaphore_mem>>) src(%arg8 : memref<128x128xf32, #tpu.memory_space<vmem>>) dst(%dma_wait3A_84 : memref<10240x128xf32, #tpu.memory_space<vmem_shared>>)
        tpu.yield
      }) : () -> ()
    }
    %scan3A_54 = arith.constant 80 : i32
    %barrier3A_55 = arith.constant 0 : index
    tpu.barrier barrier_id(%barrier3A_55)
    %mul3A_56 = arith.constant 640 : i32
    %mul3A_57 = arith.muli %arg1, %mul3A_56 : i32
    %mul3A_58 = arith.constant 640 : i32
    %mul3A_59 = arith.muli %arg1, %mul3A_58 : i32
    "tpu.region"() ({
      %run_scoped3A = tpu.sem_alloc : memref<!tpu.dma_semaphore, #tpu.memory_space<semaphore_mem>>
      %dma_start3A_60 = arith.constant 0 : i32
      %dma_start3A_61 = tpu.memref_slice %arg5[%arg0, %mul3A_59, %dma_start3A_60] : memref<2x10240x128xf32, #tpu.memory_space<hbm>> -> memref<1x640x128xf32, #tpu.memory_space<hbm>>
      %dma_start3A_62 = tpu.memref_squeeze %dma_start3A_61 : memref<1x640x128xf32, #tpu.memory_space<hbm>> -> memref<640x128xf32, #tpu.memory_space<hbm>>
      %dma_start3A_63 = arith.constant 0 : i32
      %dma_start3A_64 = tpu.memref_slice %arg9[%mul3A_57, %dma_start3A_63] : memref<10240x128xf32, #tpu.memory_space<vmem_shared>> -> memref<640x128xf32, #tpu.memory_space<vmem_shared>>
      tpu.enqueue_dma source(%dma_start3A_64 : memref<640x128xf32, #tpu.memory_space<vmem_shared>>) target(%dma_start3A_62 : memref<640x128xf32, #tpu.memory_space<hbm>>) target_semaphore(%run_scoped3A : memref<!tpu.dma_semaphore, #tpu.memory_space<semaphore_mem>>)
      %dma_wait3A_65 = arith.constant 0 : i32
      %dma_wait3A_66 = tpu.memref_slice %arg5[%arg0, %mul3A_59, %dma_wait3A_65] : memref<2x10240x128xf32, #tpu.memory_space<hbm>> -> memref<1x640x128xf32, #tpu.memory_space<hbm>>
      %dma_wait3A_67 = tpu.memref_squeeze %dma_wait3A_66 : memref<1x640x128xf32, #tpu.memory_space<hbm>> -> memref<640x128xf32, #tpu.memory_space<hbm>>
      %dma_wait3A_68 = arith.constant 0 : i32
      %dma_wait3A_69 = tpu.memref_slice %arg9[%mul3A_57, %dma_wait3A_68] : memref<10240x128xf32, #tpu.memory_space<vmem_shared>> -> memref<640x128xf32, #tpu.memory_space<vmem_shared>>
      tpu.wait_dma2 semaphore(%run_scoped3A : memref<!tpu.dma_semaphore, #tpu.memory_space<semaphore_mem>>) src(%dma_wait3A_69 : memref<640x128xf32, #tpu.memory_space<vmem_shared>>) dst(%dma_wait3A_67 : memref<640x128xf32, #tpu.memory_space<hbm>>)
      tpu.yield
    }) : () -> ()
    return
  }
}

module attributes {stable_mosaic.version = 14 : i64} {
  func.func @_tc1_body(%arg0: i32, %arg1: memref<1024x128xf32, #tpu.memory_space<vmem>>, %arg2: memref<128x128xf32, #tpu.memory_space<vmem>>, %arg3: memref<128x128xf32, #tpu.memory_space<vmem>>, %arg4: memref<1x128xf32, #tpu.memory_space<vmem>>, %arg5: memref<1024x128xf32, #tpu.memory_space<vmem>>, %arg6: memref<1024x128xf32, #tpu.memory_space<vmem>>) attributes {dimension_semantics = [#tpu.dimension_semantics<arbitrary>], iteration_bounds = array<i64: 10>, scalar_prefetch = 0 : i64, scratch_operands = 0 : i64, tpu.core_type = #tpu.core_type<tc>, window_params = [{transform_indices = @transform_0, window_bounds = array<i64: 1024, 128>}, {pipeline_mode = #tpu.pipeline_mode<synchronous>, transform_indices = @transform_1, window_bounds = array<i64: 128, 128>}, {pipeline_mode = #tpu.pipeline_mode<synchronous>, transform_indices = @transform_2, window_bounds = array<i64: 128, 128>}, {pipeline_mode = #tpu.pipeline_mode<synchronous>, transform_indices = @transform_3, window_bounds = array<i64: 1, 128>}, {transform_indices = @transform_4, window_bounds = array<i64: 1024, 128>}, {transform_indices = @transform_5, window_bounds = array<i64: 1024, 128>}]} {
    %get3A = arith.constant 0 : index
    %get3A_0 = arith.constant 0 : index
    %get3A_1 = vector.load %arg1[%get3A, %get3A_0] : memref<1024x128xf32, #tpu.memory_space<vmem>>, vector<1024x128xf32>
    %get3A_2 = arith.constant 0 : index
    %get3A_3 = arith.constant 0 : index
    %get3A_4 = vector.load %arg2[%get3A_2, %get3A_3] : memref<128x128xf32, #tpu.memory_space<vmem>>, vector<128x128xf32>
    %dot_general3A = arith.constant dense<0.000000e+00> : vector<1024x128xf32>
    %dot_general3A_5 = tpu.matmul %get3A_1, %get3A_4, %dot_general3A {dimension_numbers = #tpu.dot_dimension_numbers<[1], [0], [0], [1], [0, 0, 1, 1], [], []>, transpose_lhs_hint = false} : vector<1024x128xf32>, vector<128x128xf32>, vector<1024x128xf32> -> vector<1024x128xf32>
    %swap3A = arith.constant 0 : index
    %swap3A_6 = arith.constant 0 : index
    %swap3A_7 = vector.load %arg5[%swap3A, %swap3A_6] : memref<1024x128xf32, #tpu.memory_space<vmem>>, vector<1024x128xf32>
    tpu.vector_store %arg5[%swap3A, %swap3A_6], %dot_general3A_5 {strides = array<i32>} : memref<1024x128xf32, #tpu.memory_space<vmem>>, vector<1024x128xf32>,
    %get3A_8 = arith.constant 0 : index
    %get3A_9 = arith.constant 0 : index
    %get3A_10 = vector.load %arg3[%get3A_8, %get3A_9] : memref<128x128xf32, #tpu.memory_space<vmem>>, vector<128x128xf32>
    %dot_general3A_11 = arith.constant dense<0.000000e+00> : vector<1024x128xf32>
    %dot_general3A_12 = tpu.matmul %get3A_1, %get3A_10, %dot_general3A_11 {dimension_numbers = #tpu.dot_dimension_numbers<[1], [0], [0], [1], [0, 0, 1, 1], [], []>, transpose_lhs_hint = false} : vector<1024x128xf32>, vector<128x128xf32>, vector<1024x128xf32> -> vector<1024x128xf32>
    %get3A_13 = arith.constant 0 : index
    %get3A_14 = arith.constant 0 : index
    %get3A_15 = vector.load %arg4[%get3A_13, %get3A_14] : memref<1x128xf32, #tpu.memory_space<vmem>>, vector<1x128xf32>
    %add3A = vector.broadcast %get3A_15 : vector<1x128xf32> to vector<1024x128xf32>
    %add3A_16 = arith.addf %dot_general3A_12, %add3A : vector<1024x128xf32>
    %swap3A_17 = arith.constant 0 : index
    %swap3A_18 = arith.constant 0 : index
    %swap3A_19 = vector.load %arg6[%swap3A_17, %swap3A_18] : memref<1024x128xf32, #tpu.memory_space<vmem>>, vector<1024x128xf32>
    tpu.vector_store %arg6[%swap3A_17, %swap3A_18], %add3A_16 {strides = array<i32>} : memref<1024x128xf32, #tpu.memory_space<vmem>>, vector<1024x128xf32>,
    return
  }
  func.func @transform_0(%arg0: i32) -> (i32, i32) {
    %c0_i32 = arith.constant 0 : i32
    %c0_i32_0 = arith.constant 0 : i32
    return %arg0, %c0_i32 : i32, i32
  }
  func.func @transform_1(%arg0: i32) -> (i32, i32) {
    %c0_i32 = arith.constant 0 : i32
    %c0_i32_0 = arith.constant 0 : i32
    %c0_i32_1 = arith.constant 0 : i32
    return %c0_i32, %c0_i32_0 : i32, i32
  }
  func.func @transform_2(%arg0: i32) -> (i32, i32) {
    %c0_i32 = arith.constant 0 : i32
    %c0_i32_0 = arith.constant 0 : i32
    %c0_i32_1 = arith.constant 0 : i32
    return %c0_i32, %c0_i32_0 : i32, i32
  }
  func.func @transform_3(%arg0: i32) -> (i32, i32) {
    %c0_i32 = arith.constant 0 : i32
    %c0_i32_0 = arith.constant 0 : i32
    %c0_i32_1 = arith.constant 0 : i32
    return %c0_i32, %c0_i32_0 : i32, i32
  }
  func.func @transform_4(%arg0: i32) -> (i32, i32) {
    %c0_i32 = arith.constant 0 : i32
    %c0_i32_0 = arith.constant 0 : i32
    return %arg0, %c0_i32 : i32, i32
  }
  func.func @transform_5(%arg0: i32) -> (i32, i32) {
    %c0_i32 = arith.constant 0 : i32
    %c0_i32_0 = arith.constant 0 : i32
    return %arg0, %c0_i32 : i32, i32
  }
}

module attributes {stable_mosaic.version = 14 : i64} {
  func.func @_tc2_body(%arg0: i32, %arg1: memref<1x1024x128xf32, #tpu.memory_space<vmem>>, %arg2: memref<1x1024x128xf32, #tpu.memory_space<vmem>>, %arg3: memref<1024x128xf32, #tpu.memory_space<vmem>>, %arg4: memref<1024x128xf32, #tpu.memory_space<vmem>>, %arg5: memref<128x128xf32, #tpu.memory_space<vmem>>, %arg6: memref<128x128xf32, #tpu.memory_space<vmem>>, %arg7: memref<1x128xf32, #tpu.memory_space<vmem>>, %arg8: memref<1024x128xf32, #tpu.memory_space<vmem>>, %arg9: memref<1024x128xf32, #tpu.memory_space<vmem>>) attributes {dimension_semantics = [#tpu.dimension_semantics<arbitrary>], iteration_bounds = array<i64: 10>, scalar_prefetch = 0 : i64, scratch_operands = 0 : i64, tpu.core_type = #tpu.core_type<tc>, window_params = [{transform_indices = @transform_0, window_bounds = array<i64: 1, 1024, 128>}, {transform_indices = @transform_1, window_bounds = array<i64: 1, 1024, 128>}, {transform_indices = @transform_2, window_bounds = array<i64: 1024, 128>}, {transform_indices = @transform_3, window_bounds = array<i64: 1024, 128>}, {pipeline_mode = #tpu.pipeline_mode<synchronous>, transform_indices = @transform_4, window_bounds = array<i64: 128, 128>}, {pipeline_mode = #tpu.pipeline_mode<synchronous>, transform_indices = @transform_5, window_bounds = array<i64: 128, 128>}, {pipeline_mode = #tpu.pipeline_mode<synchronous>, transform_indices = @transform_6, window_bounds = array<i64: 1, 128>}, {transform_indices = @transform_7, window_bounds = array<i64: 1024, 128>}, {transform_indices = @transform_8, window_bounds = array<i64: 1024, 128>}]} {
    %get3A = arith.constant 0 : index
    %get3A_0 = arith.constant 0 : index
    %get3A_1 = vector.load %arg3[%get3A, %get3A_0] : memref<1024x128xf32, #tpu.memory_space<vmem>>, vector<1024x128xf32>
    %max3A = arith.constant 1.000000e+00 : f32
    %max3A_2 = vector.broadcast %max3A : f32 to vector<1024x128xf32>
    %max3A_3 = arith.maximumf %get3A_1, %max3A_2 : vector<1024x128xf32>
    %div3A = arith.constant 1.000000e+00 : f32
    %div3A_4 = vector.broadcast %div3A : f32 to vector<1024x128xf32>
    %div3A_5 = arith.divf %div3A_4, %max3A_3 : vector<1024x128xf32>
    %get3A_6 = arith.constant 0 : index
    %get3A_7 = arith.constant 0 : index
    %get3A_8 = arith.constant 0 : index
    %get3A_9 = vector.load %arg1[%get3A_6, %get3A_7, %get3A_8] : memref<1x1024x128xf32, #tpu.memory_space<vmem>>, vector<1x1024x128xf32>
    %get3A_10 = vector.shape_cast %get3A_9 : vector<1x1024x128xf32> to vector<1024x128xf32>
    %get3A_11 = arith.constant 0 : index
    %get3A_12 = arith.constant 0 : index
    %get3A_13 = arith.constant 0 : index
    %get3A_14 = vector.load %arg2[%get3A_11, %get3A_12, %get3A_13] : memref<1x1024x128xf32, #tpu.memory_space<vmem>>, vector<1x1024x128xf32>
    %get3A_15 = vector.shape_cast %get3A_14 : vector<1x1024x128xf32> to vector<1024x128xf32>
    %add3A = arith.addf %get3A_10, %get3A_15 : vector<1024x128xf32>
    %mul3A = arith.mulf %add3A, %div3A_5 : vector<1024x128xf32>
    %get3A_16 = arith.constant 0 : index
    %get3A_17 = arith.constant 0 : index
    %get3A_18 = vector.load %arg4[%get3A_16, %get3A_17] : memref<1024x128xf32, #tpu.memory_space<vmem>>, vector<1024x128xf32>
    %add3A_19 = arith.addf %mul3A, %get3A_18 : vector<1024x128xf32>
    %get3A_20 = arith.constant 0 : index
    %get3A_21 = arith.constant 0 : index
    %get3A_22 = vector.load %arg5[%get3A_20, %get3A_21] : memref<128x128xf32, #tpu.memory_space<vmem>>, vector<128x128xf32>
    %dot_general3A = arith.constant dense<0.000000e+00> : vector<1024x128xf32>
    %dot_general3A_23 = tpu.matmul %add3A_19, %get3A_22, %dot_general3A {dimension_numbers = #tpu.dot_dimension_numbers<[1], [0], [0], [1], [0, 0, 1, 1], [], []>, transpose_lhs_hint = false} : vector<1024x128xf32>, vector<128x128xf32>, vector<1024x128xf32> -> vector<1024x128xf32>
    %swap3A = arith.constant 0 : index
    %swap3A_24 = arith.constant 0 : index
    %swap3A_25 = vector.load %arg8[%swap3A, %swap3A_24] : memref<1024x128xf32, #tpu.memory_space<vmem>>, vector<1024x128xf32>
    tpu.vector_store %arg8[%swap3A, %swap3A_24], %dot_general3A_23 {strides = array<i32>} : memref<1024x128xf32, #tpu.memory_space<vmem>>, vector<1024x128xf32>,
    %get3A_26 = arith.constant 0 : index
    %get3A_27 = arith.constant 0 : index
    %get3A_28 = vector.load %arg6[%get3A_26, %get3A_27] : memref<128x128xf32, #tpu.memory_space<vmem>>, vector<128x128xf32>
    %dot_general3A_29 = arith.constant dense<0.000000e+00> : vector<1024x128xf32>
    %dot_general3A_30 = tpu.matmul %add3A_19, %get3A_28, %dot_general3A_29 {dimension_numbers = #tpu.dot_dimension_numbers<[1], [0], [0], [1], [0, 0, 1, 1], [], []>, transpose_lhs_hint = false} : vector<1024x128xf32>, vector<128x128xf32>, vector<1024x128xf32> -> vector<1024x128xf32>
    %get3A_31 = arith.constant 0 : index
    %get3A_32 = arith.constant 0 : index
    %get3A_33 = vector.load %arg7[%get3A_31, %get3A_32] : memref<1x128xf32, #tpu.memory_space<vmem>>, vector<1x128xf32>
    %add3A_34 = vector.broadcast %get3A_33 : vector<1x128xf32> to vector<1024x128xf32>
    %add3A_35 = arith.addf %dot_general3A_30, %add3A_34 : vector<1024x128xf32>
    %swap3A_36 = arith.constant 0 : index
    %swap3A_37 = arith.constant 0 : index
    %swap3A_38 = vector.load %arg9[%swap3A_36, %swap3A_37] : memref<1024x128xf32, #tpu.memory_space<vmem>>, vector<1024x128xf32>
    tpu.vector_store %arg9[%swap3A_36, %swap3A_37], %add3A_35 {strides = array<i32>} : memref<1024x128xf32, #tpu.memory_space<vmem>>, vector<1024x128xf32>,
    return
  }
  func.func @transform_0(%arg0: i32) -> (i32, i32, i32) {
    %c0_i32 = arith.constant 0 : i32
    %c0_i32_0 = arith.constant 0 : i32
    %c0_i32_1 = arith.constant 0 : i32
    return %c0_i32, %arg0, %c0_i32_0 : i32, i32, i32
  }
  func.func @transform_1(%arg0: i32) -> (i32, i32, i32) {
    %c1_i32 = arith.constant 1 : i32
    %c0_i32 = arith.constant 0 : i32
    %c0_i32_0 = arith.constant 0 : i32
    return %c1_i32, %arg0, %c0_i32 : i32, i32, i32
  }
  func.func @transform_2(%arg0: i32) -> (i32, i32) {
    %c0_i32 = arith.constant 0 : i32
    %c0_i32_0 = arith.constant 0 : i32
    return %arg0, %c0_i32 : i32, i32
  }
  func.func @transform_3(%arg0: i32) -> (i32, i32) {
    %c0_i32 = arith.constant 0 : i32
    %c0_i32_0 = arith.constant 0 : i32
    return %arg0, %c0_i32 : i32, i32
  }
  func.func @transform_4(%arg0: i32) -> (i32, i32) {
    %c0_i32 = arith.constant 0 : i32
    %c0_i32_0 = arith.constant 0 : i32
    %c0_i32_1 = arith.constant 0 : i32
    return %c0_i32, %c0_i32_0 : i32, i32
  }
  func.func @transform_5(%arg0: i32) -> (i32, i32) {
    %c0_i32 = arith.constant 0 : i32
    %c0_i32_0 = arith.constant 0 : i32
    %c0_i32_1 = arith.constant 0 : i32
    return %c0_i32, %c0_i32_0 : i32, i32
  }
  func.func @transform_6(%arg0: i32) -> (i32, i32) {
    %c0_i32 = arith.constant 0 : i32
    %c0_i32_0 = arith.constant 0 : i32
    %c0_i32_1 = arith.constant 0 : i32
    return %c0_i32, %c0_i32_0 : i32, i32
  }
  func.func @transform_7(%arg0: i32) -> (i32, i32) {
    %c0_i32 = arith.constant 0 : i32
    %c0_i32_0 = arith.constant 0 : i32
    return %arg0, %c0_i32 : i32, i32
  }
  func.func @transform_8(%arg0: i32) -> (i32, i32) {
    %c0_i32 = arith.constant 0 : i32
    %c0_i32_0 = arith.constant 0 : i32
    return %arg0, %c0_i32 : i32, i32
  }
}

module attributes {stable_mosaic.version = 14 : i64} {
  func.func @_tc3_body(%arg0: i32, %arg1: memref<1x1024x128xf32, #tpu.memory_space<vmem>>, %arg2: memref<1x1024x128xf32, #tpu.memory_space<vmem>>, %arg3: memref<1024x128xf32, #tpu.memory_space<vmem>>, %arg4: memref<1024x128xf32, #tpu.memory_space<vmem>>, %arg5: memref<1024x128xf32, #tpu.memory_space<vmem>>) attributes {dimension_semantics = [#tpu.dimension_semantics<arbitrary>], iteration_bounds = array<i64: 10>, scalar_prefetch = 0 : i64, scratch_operands = 0 : i64, tpu.core_type = #tpu.core_type<tc>, window_params = [{transform_indices = @transform_0, window_bounds = array<i64: 1, 1024, 128>}, {transform_indices = @transform_1, window_bounds = array<i64: 1, 1024, 128>}, {transform_indices = @transform_2, window_bounds = array<i64: 1024, 128>}, {transform_indices = @transform_3, window_bounds = array<i64: 1024, 128>}, {transform_indices = @transform_4, window_bounds = array<i64: 1024, 128>}]} {
    %get3A = arith.constant 0 : index
    %get3A_0 = arith.constant 0 : index
    %get3A_1 = vector.load %arg3[%get3A, %get3A_0] : memref<1024x128xf32, #tpu.memory_space<vmem>>, vector<1024x128xf32>
    %max3A = arith.constant 1.000000e+00 : f32
    %max3A_2 = vector.broadcast %max3A : f32 to vector<1024x128xf32>
    %max3A_3 = arith.maximumf %get3A_1, %max3A_2 : vector<1024x128xf32>
    %div3A = arith.constant 1.000000e+00 : f32
    %div3A_4 = vector.broadcast %div3A : f32 to vector<1024x128xf32>
    %div3A_5 = arith.divf %div3A_4, %max3A_3 : vector<1024x128xf32>
    %get3A_6 = arith.constant 0 : index
    %get3A_7 = arith.constant 0 : index
    %get3A_8 = arith.constant 0 : index
    %get3A_9 = vector.load %arg1[%get3A_6, %get3A_7, %get3A_8] : memref<1x1024x128xf32, #tpu.memory_space<vmem>>, vector<1x1024x128xf32>
    %get3A_10 = vector.shape_cast %get3A_9 : vector<1x1024x128xf32> to vector<1024x128xf32>
    %get3A_11 = arith.constant 0 : index
    %get3A_12 = arith.constant 0 : index
    %get3A_13 = arith.constant 0 : index
    %get3A_14 = vector.load %arg2[%get3A_11, %get3A_12, %get3A_13] : memref<1x1024x128xf32, #tpu.memory_space<vmem>>, vector<1x1024x128xf32>
    %get3A_15 = vector.shape_cast %get3A_14 : vector<1x1024x128xf32> to vector<1024x128xf32>
    %add3A = arith.addf %get3A_10, %get3A_15 : vector<1024x128xf32>
    %mul3A = arith.mulf %add3A, %div3A_5 : vector<1024x128xf32>
    %get3A_16 = arith.constant 0 : index
    %get3A_17 = arith.constant 0 : index
    %get3A_18 = vector.load %arg4[%get3A_16, %get3A_17] : memref<1024x128xf32, #tpu.memory_space<vmem>>, vector<1024x128xf32>
    %add3A_19 = arith.addf %mul3A, %get3A_18 : vector<1024x128xf32>
    %swap3A = arith.constant 0 : index
    %swap3A_20 = arith.constant 0 : index
    %swap3A_21 = vector.load %arg5[%swap3A, %swap3A_20] : memref<1024x128xf32, #tpu.memory_space<vmem>>, vector<1024x128xf32>
    tpu.vector_store %arg5[%swap3A, %swap3A_20], %add3A_19 {strides = array<i32>} : memref<1024x128xf32, #tpu.memory_space<vmem>>, vector<1024x128xf32>,
    return
  }
  func.func @transform_0(%arg0: i32) -> (i32, i32, i32) {
    %c0_i32 = arith.constant 0 : i32
    %c0_i32_0 = arith.constant 0 : i32
    %c0_i32_1 = arith.constant 0 : i32
    return %c0_i32, %arg0, %c0_i32_0 : i32, i32, i32
  }
  func.func @transform_1(%arg0: i32) -> (i32, i32, i32) {
    %c1_i32 = arith.constant 1 : i32
    %c0_i32 = arith.constant 0 : i32
    %c0_i32_0 = arith.constant 0 : i32
    return %c1_i32, %arg0, %c0_i32 : i32, i32, i32
  }
  func.func @transform_2(%arg0: i32) -> (i32, i32) {
    %c0_i32 = arith.constant 0 : i32
    %c0_i32_0 = arith.constant 0 : i32
    return %arg0, %c0_i32 : i32, i32
  }
  func.func @transform_3(%arg0: i32) -> (i32, i32) {
    %c0_i32 = arith.constant 0 : i32
    %c0_i32_0 = arith.constant 0 : i32
    return %arg0, %c0_i32 : i32, i32
  }
  func.func @transform_4(%arg0: i32) -> (i32, i32) {
    %c0_i32 = arith.constant 0 : i32
    %c0_i32_0 = arith.constant 0 : i32
    return %arg0, %c0_i32 : i32, i32
  }
}

</mosaic_0001>

<sc_bundles>
// kernel: kernel.10.cloned.1.call-start
scs
__scs_entry_jumppad:
0x0: {  	(pc) =	sbr.rel $0x88, $3  }
0x1: {  	(tag) =	ssettag $0x0;
	lr =	simm.s32 $0x1  }
0x2: {  	[smem:$0x3F99] =	sst lr;
	_ =	strace $0xD0000000  }
0x3: {  	_ = 	snop  }
0x4: {  	_ = 	snop  }
0x5: {  	_ = 	snop  }
0x6: {  	_ = 	snop  }
0x7: {  	_ = 	snop  }
__scs_overlays_trampoline_lowered:
0x8: {  	[smem:$0x3FA8] =	sst s0  }
0x9: {  	[smem:$0x3FA9] =	sst s1  }
0xa: {  	[smem:$0x3FAA] =	sst s2  }
0xb: {  	[smem:$0x3FAB] =	sst s3  }
0xc: {  	[smem:$0x3FAC] =	sst s4  }
0xd: {  	[smem:$0x3FAD] =	sst s5  }
0xe: {  	[smem:$0x3FAE] =	sst s6  }
0xf: {  	[smem:$0x3FAF] =	sst s7  }
0x10: {  	[smem:$0x3FB0] =	sst s8  }
0x11: {  	[smem:$0x3FB1] =	sst s9;
	s0 =	simm.s32 @!p0 $0x0  }
0x12: {  	s1 =	sld [smem:$0x3F97];
	s0 =	simm.s32 @p0 $0x1  }
0x13: {  	[smem:$0x3FB2] =	sst s0;
	s0 =	simm.s32 @!p1 $0x0  }
0x14: {  	s2 =	sld [smem:$0x3F96];
	s0 =	simm.s32 @p1 $0x1  }
0x15: {  	[smem:$0x3FB3] =	sst s0;
	s0 =	simm.s32 @!p2 $0x0  }
0x16: {  	s3 =	sld [smem:$0x3FDB];
	s0 =	simm.s32 @p2 $0x1  }
0x17: {  	s4 =	simm.s32 $0x1BF5;
	[smem:$0x3FB5] =	sst s0  }
0x18: {  	s0 =	sld [smem:$0x3F98];
	_ =	swait.ge [sflag:s4], $0x0  }
0x19: {  	s7 =	sld [smem:$0x3F99]  }
0x1a: {  	s8 =	sadd.s32 $0xFFFFE003, lr  }
0x1b: {  	s9 =	sadd.s32 $0xFFFFFEF7, lr;
	s5 =	simm.s32 $0xFFFFFFFF;
	p2 =	slt.u32 s8, $0xFFFFF086  }
0x1c: {  	p1 =	slt.u32 s9, $0xF7A;
	s5 =	simm.s32 @!p2 $0x0  }
0x1d: {  	s5 =	simm.s32 @p1 $0x1;
	p0 =	seq.s32 s7, s2  }
0x1e: {  	s7 =	smul.u32 @!p0 $0xF7A, s2;
	p2 =	seq.s32 @!p0 s5, $0x0  }
0x1f: {  	s9 =	smul.u32 $0xF7A, s1;
	s8 =	simm.s32 @!p0 $0x1BF5;
	p2 =	por !p2, p0  }
0x20: {  	[sflag:s8] =	ssyncset.s32 @!p0 $0xFFFFF086;
	s6 =	sadd.s32 @!p0 s3, s7;
	s7 =	simm.s32 @!p0 $0x108  }
0x21: {  	s3 =	sadd.s32 s3, s9;
	s6 =	sadd.s32 @!p0 $0x88, s6;
	s7 =	simm.s32 @p2 $0x1082  }
0x22: {  	[simem:s7], [sflag:s8] =	dma.local @!p0 [hbm:s6], $0xF7A  }
0x23: {  	s9 =	sor.u32 $0xD0000000, s2;
	s6 =	simm.s32 $0x108;
	_ =	swait.ge @!p0 [sflag:s8], $0x0  }
0x24: {  	s3 =	sadd.s32 $0x88, s3;
	s6 =	simm.s32 @!p1 $0x1082;
	[sflag:s4] =	ssyncset.s32 $0xFFFFF086  }
0x25: {  	[simem:s6], [sflag:s4] =	dma.local [hbm:s3], $0xF7A  }
0x26: {  	[smem:$0x3F99] =	sst s1;
	(tag) =	ssettag s2;
	_ =	strace s9  }
0x27: {  	s1 =	sld [smem:$0x3FA9]  }
0x28: {  	s2 =	sld [smem:$0x3FAA]  }
0x29: {  	s4 =	sld [smem:$0x3FAC]  }
0x2a: {  	p0 =	seq.s32 s5, $0x0;
	s5 =	sld [smem:$0x3FAD]  }
0x2b: {  	s6 =	sld [smem:$0x3FAE]  }
0x2c: {  	s7 =	sld [smem:$0x3FAF]  }
0x2d: {  	s3 =	simm.s32 $0x108;
	s8 =	sld [smem:$0x3FB0]  }
0x2e: {  	s3 =	simm.s32 @!p0 $0x1082;
	s9 =	sld [smem:$0x3FB1]  }
0x2f: {  	lr =	sadd.s32 s0, s3;
	s0 =	sld [smem:$0x3FA8]  }
0x30: {  	s3 =	sld [smem:$0x3FAB]  }
0x31: {  	[smem:$0x3FB4] =	sst s10  }
0x32: {  	s10 =	sld [smem:$0x3FB2];
	_ =	sdelay $0x3  }
0x33: {  	p0 =	seq.s32 s10, $0x1;
	s10 =	sld [smem:$0x3FB4];
	_ =	sdelay $0x3  }
0x34: {  	[smem:$0x3FB4] =	sst s10  }
0x35: {  	s10 =	sld [smem:$0x3FB3];
	_ =	sdelay $0x3  }
0x36: {  	p1 =	seq.s32 s10, $0x1;
	s10 =	sld [smem:$0x3FB4];
	_ =	sdelay $0x3  }
0x37: {  	[smem:$0x3FB4] =	sst s10  }
0x38: {  	s10 =	sld [smem:$0x3FB5]  }
0x39: {  	_ = 	snop;
	(pc) =	sbr.ind lr, $3  }
0x3a: {  	_ = 	snop  }
0x3b: {  	_ = 	snop  }
0x3c: {  	p2 =	seq.s32 s10, $0x1;
	s10 =	sld [smem:$0x3FB4]  }
0x3d: {  	_ =	shalt  }
0x3e: {  	_ =	shalt  }
0x3f: {  	_ =	shalt  }
0x40: {  	_ =	shalt  }
0x41: {  	_ =	shalt  }
0x42: {  	_ =	shalt  }
0x43: {  	_ =	shalt  }
0x44: {  	_ =	shalt  }
0x45: {  	_ =	shalt  }
0x46: {  	_ =	shalt  }
0x47: {  	_ =	shalt  }
0x48: {  	_ =	shalt  }
0x49: {  	_ =	shalt  }
0x4a: {  	_ =	shalt  }
0x4b: {  	_ =	shalt  }
0x4c: {  	_ =	shalt  }
0x4d: {  	_ =	shalt  }
0x4e: {  	_ =	shalt  }
0x4f: {  	_ =	shalt  }
0x50: {  	_ =	shalt  }
0x51: {  	_ =	shalt  }
0x52: {  	_ =	shalt  }
0x53: {  	_ =	shalt  }
0x54: {  	_ =	shalt  }
0x55: {  	_ =	shalt  }
0x56: {  	_ =	shalt  }
0x57: {  	_ =	shalt  }
0x58: {  	_ =	shalt  }
0x59: {  	_ =	shalt  }
0x5a: {  	_ =	shalt  }
0x5b: {  	_ =	shalt  }
0x5c: {  	_ =	shalt  }
0x5d: {  	_ =	shalt  }
0x5e: {  	_ =	shalt  }
0x5f: {  	_ =	shalt  }
0x60: {  	_ =	shalt  }
0x61: {  	_ =	shalt  }
0x62: {  	_ =	shalt  }
0x63: {  	_ =	shalt  }
0x64: {  	_ =	shalt  }
0x65: {  	_ =	shalt  }
0x66: {  	_ =	shalt  }
0x67: {  	_ =	shalt  }
0x68: {  	_ =	shalt  }
0x69: {  	_ =	shalt  }
0x6a: {  	_ =	shalt  }
0x6b: {  	_ =	shalt  }
0x6c: {  	_ =	shalt  }
0x6d: {  	_ =	shalt  }
0x6e: {  	_ =	shalt  }
0x6f: {  	_ =	shalt  }
0x70: {  	_ =	shalt  }
0x71: {  	_ =	shalt  }
0x72: {  	_ =	shalt  }
0x73: {  	_ =	shalt  }
0x74: {  	_ =	shalt  }
0x75: {  	_ =	shalt  }
0x76: {  	_ =	shalt  }
0x77: {  	_ =	shalt  }
0x78: {  	_ =	shalt  }
0x79: {  	_ =	shalt  }
0x7a: {  	_ =	shalt  }
0x7b: {  	_ =	shalt  }
0x7c: {  	_ =	shalt  }
0x7d: {  	_ =	shalt  }
0x7e: {  	_ =	shalt  }
0x7f: {  	_ =	shalt  }
0x80: {  	_ =	shalt  }
0x81: {  	_ =	shalt  }
0x82: {  	_ =	shalt  }
0x83: {  	_ =	shalt  }
0x84: {  	_ =	shalt  }
0x85: {  	_ =	shalt  }
0x86: {  	_ =	shalt  }
0x87: {  	_ =	shalt  }
.Lfunc_end0:
.L_simem_size_0:
called_computation.1_lowered:
.L_overlay_start_0:
0x88: {  	s2 =	sld [smem:$0x3FD9]  }
0x89: {  	s3 =	sld [smem:$0x3FFE];
	_ =	sdelay $0x1  }
0x8a: {  	s1 =	srdreg.scid  }
0x8b: {  	s0 =	sand.u32 $0x1, s1  }
0x8c: {  	s17 =	sshll.u32 s0, $0xA;
	s2 =	sadd.s32 s3, s2  }
0x8d: {  	s2 =	sadd.s32 s2, s17  }
0x8e: {  	[smem:$0x3FC0] =	sst s2  }
0x8f: {  	_ = 	snop  }
0x90: {  	s2 =	sld [smem:$0x3FD0];
	(tm) =	ssettm $0x1  }
0x91: {  	s18 =	sld [smem:$0x3FFB];
	_ =	sdelay $0x3  }
0x92: {  	_ =	strace s18  }
0x93: {  	s3 =	sld [smem:$0x3FFC];
	_ =	sdelay $0x3  }
0x94: {  	_ =	strace s3  }
0x95: {  	s3 =	sld [smem:$0x3FFD];
	_ =	sdelay $0x3  }
0x96: {  	_ =	strace s3  }
0x97: {  	_ =	strace $0x8FFFFFFF  }
0x98: {  	s19 =	sld [smem:$0x3FDB];
	_ =	sdelay $0x1  }
0x99: {  	s4 =	simm.s32 $_scs_section_size  }
0x9a: {  	s5 =	simm.s32 $_size__tile_overlayer_lowered;
	s6 =	simm.s32 $_tile_overlayer_lowered  }
0x9b: {  	s22 =	simm.s32 $0x1BFF;
	s21 =	sshll.u32 s6, $0x1;
	s3 =	sadd.s32 s4, s19  }
0x9c: {  	s7 =	simm.s32 $0x0;
	s20 =	sshll.u32 s5, $0x1;
	s5 =	sadd.s32 s21, s3  }
0x9d: {  	[timem:s7], [sflag:s22] =	dma.local [hbm:s5], s20  }
0x9e: {  	_ =	swait.ge [sflag:s22], s20  }
0x9f: {  	s4 =	ssub.s32 $0x0, s20;
	[sflag:s22] =	ssyncset.done $0x0  }
0xa0: {  	[sflag:s22] =	ssyncadd.s32 s4;
	_ =	sdelay $0x1  }
0xa1: {  	s23 =	simm.s32 $0x1B8B  }
0xa2: {  	_ =	swait.ge [sflag:s23], $0x1  }
0xa3: {  	[sflag:s23] =	ssyncset.done $0x0  }
0xa4: {  	s25 =	simm.s32 $0x1B8E;
	s24 =	sld [smem:$0x3FFE];
	[sflag:s23] =	ssyncadd.s32 $0xFFFFFFFF  }
0xa5: {  	s26 =	simm.s32 $execute0_lowered;
	[smem:$0x3FD2] =	sst s25  }
0xa6: {  	s5 =	sshll.u32 s26, $0x1;
	_ =	strace $0x80000049;
	[dreg:$0x1] =	wrdreg $0xFFFFFFFF  }
0xa7: {  	s28 =	simm.s32 $_size_execute0_lowered;
	s3 =	sadd.s32 s3, s5;
	[dreg:$0x0] =	wrdreg $0x0  }
0xa8: {  	s5 =	sshll.u32 s28, $0x1;
	[dreg:$0x2] =	wrdreg s3  }
0xa9: {  	[dreg:$0x3] =	wrdreg s5  }
0xaa: {  	[dreg:$0x4] =	wrdreg $0xC0  }
0xab: {  	_ =	task [dreg:s7], $0x5FFFF  }
0xac: {  	[dreg:$0x1] =	wrdreg $0xFFFFFFFF  }
0xad: {  	[dreg:$0x0] =	wrdreg $0x60  }
0xae: {  	[dreg:$0x2] =	wrdreg s2  }
0xaf: {  	[dreg:$0x3] =	wrdreg s24  }
0xb0: {  	[dreg:$0x4] =	wrdreg $0x90000  }
0xb1: {  	[dreg:$0x5] =	wrdreg $0x9  }
0xb2: {  	_ =	task.clear_ibuf [dreg:s7], $0x6FFFF;
	_ =	strace $0x90000049  }
0xb3: {  	s29 =	simm.s32 $0x9;
	_ =	strace $0x8000004B  }
0xb4: {  	_ =	swait.ge [sflag:s29], $0x1  }
0xb5: {  	[sflag:s29] =	ssyncadd.s32 $0xFFFFFFFF  }
0xb6: {  	_ =	strace $0x9000004B  }
0xb7: {  	_ =	sfence  }
0xb8: {  	s30 =	sld [smem:$0x0];
	_ =	sdelay $0x2  }
0xb9: {  	s31 =	sshll.u32 s1, $0xD;
	s1 =	sshrl.u32 s1, $0x2  }
0xba: {  	s3 =	sand.u32 $0x4000, s31;
	s1 =	sadd.s32 s1, s30  }
0xbb: {  	s0 =	sor.u32 s3, s0;
	s1 =	sshll.u32 s1, $0x11  }
0xbc: {  	s0 =	sor.u32 s1, s0  }
0xbd: {  	s0 =	sadd.s32 $0x8F2B, s0  }
0xbe: {  	[sflag:s0] =	ssyncadd.remote.s32 $0x1  }
0xbf: {  	_ =	sfence.sel $0xFFFF  }
0xc0: {  	[dreg:$0x0] =	wrdreg $0xFFFFFFFF;
	(pc) =	sbr.abs _section_cstart, $3  }
0xc1: {  	[dreg:$0x1] =	wrdreg $0xFFFFFFFF  }
0xc2: {  	_ =	task.clear_ibuf [dreg:s7], $0x2FFFF;
	_ =	strace $0x9FFFFFFF  }
0xc3: {  	(tm) =	ssettm $0x7FFFFFFF  }
tec
execute0_lowered:
.L_overlay_start_1:
0x0: {  	(tag) =	ssettag $0x1  }
0x1: {  	s1 =	rddreg [dreg:$0x0]  }
0x2: {  	s5 =	rddreg [dreg:$0x1]  }
0x3: {  	s3 =	rddreg [dreg:$0x2]  }
0x4: {  	s2 =	srdreg.scid;
	s0 =	rddreg [dreg:$0x3]  }
0x5: {  	s4 =	simm.s32 $0x0;
	s14 =	simm.s32 $0x2800;
	s15 =	simm.s32 $0x5000  }
0x6: {  	s16 =	simm.s32 $0x4;
	s17 =	simm.s32 $0x1;
	s18 =	simm.s32 $0x2  }
0x7: {  	s19 =	simm.s32 $0x80;
	s20 =	simm.s32 $0x3;
	s6 =	sand.u32 $0x1, s2  }
0x8: {  	s23 =	simm.s32 $0x0;
	s2 =	stileid.u32;
	s8 =	smul.u32 $0x140000, s6  }
0x9: {  	[smem:$0x7FF] =	sst s4;
	s7 =	sshll.u32 s6, $0x4;
	s9 =	smul.u32 $0x14000, s2  }
0xa: {  	_ =	strace $0x8000004A;
	s29 =	smul.u32 $0x50000, s2;
	s6 =	ssub.s32 $0x2, s6  }
0xb: {  	s21 =	sshll.u32 s2, $0x6;
	s7 =	sor.u32 s2, s7;
	s30 =	sshrl.u32 s6, $0x1  }
0xc: {  	s21 =	sor.u32 $0x1C04, s21;
	s7 =	smul.u32 $0x500, s7;
	s8 =	sadd.s32 s9, s8  }
0xd: {  	s31 =	sshrl.u32 s29, $0x2;
	s13 =	ssub.s32 s6, s30;
	s8 =	sshrl.u32 s8, $0x3  }
0xe: {  	s6 =	sadd.s32 s31, s3;
	s13 =	smax.u32 s13, $0x1;
	s7 =	sadd.s32 s7, s5  }
0xf: {  	s12 =	sadd.s32 s8, s5;
	s8 =	sadd.s32 $0x4000, s6;
	s9 =	sadd.s32 $0x8000, s6  }
0x10: {  	s10 =	sadd.s32 $0xC000, s6;
	s11 =	sadd.s32 $0x10000, s6;
	s22 =	sshrl.u32 s6, $0x3  }
0x11: {  	v0 =	vimm.f32 $0.0e+00;
	s5 =	sadd.s32 $0x1E00, s7;
	s7 =	sadd.s32 $0xBE00, s7;
	s12 =	sadd.s32 $0x15E00, s12  }
.LBB2_1:
0x12: {  	[tilespmem:s4], [sflag:$0x1] =	stream.linear.gather [hbm4b:s5+s4], $0x2800, $0x38;
	[tilespmem:$0x1D000] =	vst v63  }
0x13: {  	s24 =	simm.s32 $0x0;
	s25 =	simm.s32 $0x200  }
0x14: {  	[tilespmem:s14], [sflag:$0x2] =	stream.linear.gather [hbm4b:s7+s4], $0x2800, $0x38;
	[tilespmem:$0x1D000] =	vst v63  }
.LBB2_2:
0x15: {  	p0 =	sne.s32 s25, $0xFE00;
	[tilespmem:s24+$0x5070] =	vst v0  }
0x16: {  	[tilespmem:s24+$0x5000] =	vst v0  }
0x17: {  	[tilespmem:s24+$0x5010] =	vst v0  }
.Ltmp0:
0x18: {  	[tilespmem:s24+$0x5020] =	vst v0;
	(pc) =	sbr.rel @p0 .LBB2_2-.Ltmp0, $4  }
0x19: {  	[tilespmem:s24+$0x5030] =	vst v0  }
0x1a: {  	[tilespmem:s24+$0x5040] =	vst v0  }
0x1b: {  	[tilespmem:s24+$0x5050] =	vst v0  }
0x1c: {  	[tilespmem:s24+$0x5060] =	vst v0;
	s24 =	sshra.s32 s25, $0x2;
	s25 =	sadd.s32 $0x200, s25  }
0x1d: {  	[tilespmem:s24+$0x5070] =	vst v0  }
0x1e: {  	[tilespmem:s24+$0x5000] =	vst v0  }
0x1f: {  	[tilespmem:s24+$0x5010] =	vst v0  }
0x20: {  	[tilespmem:s24+$0x5020] =	vst v0  }
0x21: {  	[tilespmem:s24+$0x5030] =	vst v0  }
0x22: {  	[tilespmem:s24+$0x5040] =	vst v0  }
0x23: {  	[tilespmem:s24+$0x5050] =	vst v0  }
0x24: {  	[tilespmem:s24+$0x5060] =	vst v0  }
0x25: {  	[spmem:s6] =	stream.linear.scatter [tilespmem:s15], [sflag:$0x4], $0x4000, $0x38;
	[tilespmem:$0x1D000] =	vst v63  }
0x26: {  	_ =	swait.ge [sflag:s16], $0x4000  }
0x27: {  	[sflag:s16] =	ssyncset.done $0x0  }
0x28: {  	[sflag:s16] =	ssyncadd.s32 $0xFFFFC000  }
0x29: {  	[spmem:s8] =	stream.linear.scatter [tilespmem:s15], [sflag:$0x4], $0x4000, $0x38;
	[tilespmem:$0x1D000] =	vst v63  }
0x2a: {  	_ =	swait.ge [sflag:s16], $0x4000  }
0x2b: {  	[sflag:s16] =	ssyncset.done $0x0  }
0x2c: {  	[sflag:s16] =	ssyncadd.s32 $0xFFFFC000  }
0x2d: {  	[spmem:s9] =	stream.linear.scatter [tilespmem:s15], [sflag:$0x4], $0x4000, $0x38;
	[tilespmem:$0x1D000] =	vst v63  }
0x2e: {  	_ =	swait.ge [sflag:s16], $0x4000  }
0x2f: {  	[sflag:s16] =	ssyncset.done $0x0  }
0x30: {  	[sflag:s16] =	ssyncadd.s32 $0xFFFFC000  }
0x31: {  	[spmem:s10] =	stream.linear.scatter [tilespmem:s15], [sflag:$0x4], $0x4000, $0x38;
	[tilespmem:$0x1D000] =	vst v63  }
0x32: {  	_ =	swait.ge [sflag:s16], $0x4000  }
0x33: {  	[sflag:s16] =	ssyncset.done $0x0  }
0x34: {  	[sflag:s16] =	ssyncadd.s32 $0xFFFFC000  }
0x35: {  	[spmem:s11] =	stream.linear.scatter [tilespmem:s15], [sflag:$0x4], $0x4000, $0x38;
	[tilespmem:$0x1D000] =	vst v63  }
0x36: {  	_ =	swait.ge [sflag:s16], $0x4000  }
0x37: {  	[sflag:s16] =	ssyncset.done $0x0  }
0x38: {  	[sflag:s16] =	ssyncadd.s32 $0xFFFFC000  }
0x39: {  	[bflag:$0x0] =	sbarrier.arrive $0xFFFF  }
0x3a: {  	_ =	swait.ge [sflag:s17], $0x2800  }
0x3b: {  	[sflag:s17] =	ssyncset.done $0x0  }
0x3c: {  	[sflag:s17] =	ssyncadd.s32 $0xFFFFD800  }
0x3d: {  	_ =	swait.ge [sflag:s18], $0x2800  }
0x3e: {  	[sflag:s18] =	ssyncset.done $0x0  }
0x3f: {  	s30 =	simm.s32 $0x0;
	[sflag:s18] =	ssyncadd.s32 $0xFFFFD800  }
0x40: {  	[tilespmem:s15], [sflag:$0x3] =	stream.indirect.gather [hbm4b:s1+s19], $0x80, s30, s19, $0xb8;
	[tilespmem:$0x1D000] =	vst v63  }
0x41: {  	_ =	swait.ge [sflag:s20], $0x4000  }
0x42: {  	[sflag:s20] =	ssyncset.done $0x0  }
0x43: {  	s31 =	simm.s32 $0x2800;
	[sflag:s20] =	ssyncadd.s32 $0xFFFFC000  }
0x44: {  	[spmem:s3] =	stream.indirect.scatter.add.f32 [tilespmem:s15], [sflag:$0x4], $0x80, s31, s19, $0xb8;
	[tilespmem:$0x1D000] =	vst v63  }
0x45: {  	_ =	swait.ge [sflag:s16], $0x4000  }
0x46: {  	s24 =	simm.s32 $0x200;
	s25 =	simm.s32 $0x400;
	[sflag:s16] =	ssyncset.done $0x0  }
.LBB2_4:
0x47: {  	s26 =	sshra.s32 s24, $0x2  }
0x48: {  	[sflag:s16] =	ssyncadd.s32 $0xFFFFC000;
	s24 =	smov.u32 s25;
	s28 =	sadd.s32 $0x200, s25  }
0x49: {  	[tilespmem:s15], [sflag:$0x3] =	stream.indirect.gather [hbm4b:s1+s19], $0x80, s26, s19, $0xb8;
	[tilespmem:$0x1D000] =	vst v63  }
0x4a: {  	p0 =	sne.s32 s25, $0x9E00;
	_ =	swait.ge [sflag:s20], $0x4000  }
.Ltmp1:
0x4b: {  	[sflag:s20] =	ssyncset.done $0x0;
	(pc) =	sbr.rel @p0 .LBB2_4-.Ltmp1, $4  }
0x4c: {  	s25 =	sadd.s32 $0x2800, s26;
	[sflag:s20] =	ssyncadd.s32 $0xFFFFC000  }
0x4d: {  	[spmem:s3] =	stream.indirect.scatter.add.f32 [tilespmem:s15], [sflag:$0x4], $0x80, s25, s19, $0xb8;
	[tilespmem:$0x1D000] =	vst v63  }
0x4e: {  	_ =	swait.ge [sflag:s16], $0x4000  }
0x4f: {  	s25 =	smov.u32 s28;
	[sflag:s16] =	ssyncset.done $0x0  }
0x50: {  	s24 =	sshra.s32 s24, $0x2;
	[sflag:s16] =	ssyncadd.s32 $0xFFFFC000  }
0x51: {  	[tilespmem:s15], [sflag:$0x3] =	stream.indirect.gather [hbm4b:s1+s19], $0x80, s24, s19, $0xb8;
	[tilespmem:$0x1D000] =	vst v63  }
0x52: {  	_ =	swait.ge [sflag:s20], $0x4000  }
0x53: {  	[sflag:s20] =	ssyncset.done $0x0  }
0x54: {  	s24 =	sadd.s32 $0x2800, s24;
	[sflag:s20] =	ssyncadd.s32 $0xFFFFC000  }
0x55: {  	[spmem:s3] =	stream.indirect.scatter.add.f32 [tilespmem:s15], [sflag:$0x4], $0x80, s24, s19, $0xb8;
	[tilespmem:$0x1D000] =	vst v63  }
0x56: {  	_ =	swait.ge [sflag:s16], $0x4000  }
0x57: {  	s23 =	sadd.s32 $0x1, s23;
	[sflag:s16] =	ssyncset.done $0x0  }
0x58: {  	p0 =	sne.s32 s23, s13;
	[sflag:s16] =	ssyncadd.s32 $0xFFFFC000  }
.Ltmp2:
0x59: {  	[bflag:$0x0] =	sbarrier.arrive $0xFFFF;
	(pc) =	sbr.rel @p0 .LBB2_1-.Ltmp2, $4  }
0x5a: {  	[hbm:s12], [sflag:s21] =	dma.local [spmem:s22], $0x2800  }
0x5b: {  	_ =	swait.ge [sflag:s16], $0x2800  }
0x5c: {  	[sflag:s16] =	ssyncset.done $0x0  }
0x5d: {  	[sflag:s16] =	ssyncadd.s32 $0xFFFFD800  }
0x5e: {  	_ =	sfence.sel $0x180000  }
0x5f: {  	[bflag:$0x0] =	sbarrier.arrive $0xFFFF  }
0x60: {  	p0 =	sne.s32 s2, $0x0;
	_ =	strace $0x9000004A  }
0x61: {  	s0 =	sadd.s32 @!p0 $0x100000, s0;
	[bflag:$0x2] =	sbarrier.arrive $0xFFFF  }
0x62: {  	[sflag:s0] =	ssyncadd.tile.s32 @!p0 $0x1;
	_ =	shalt  }
.Lfunc_end2:
_tile_overlayer_lowered:
.L_overlay_start_2:
0x63: {  	(tag) =	ssettag $0x2  }
0x64: {  	s0 =	rddreg [dreg:$0x0];
	s2 =	stileid.u32  }
0x65: {  	s1 =	rddreg [dreg:$0x1];
	p0 =	sne.s32 s2, $0x0  }
0x66: {  	s3 =	rddreg [dreg:$0x2];
	[bflag:$0x3] =	sbarrier.arrive $0xFFFF;
	s2 =	simm.s32 @!p0 $0x1C04  }
0x67: {  	[timem:s3], [sflag:s2] =	dma.local @!p0 [hbm:s0], s1  }
0x68: {  	s0 =	simm.s32 @!p0 $0x4  }
0x69: {  	_ =	swait.ge @!p0 [sflag:s0], s1  }
0x6a: {  	s1 =	ssub.s32 @!p0 $0x0, s1;
	[sflag:s0] =	ssyncset.done @!p0 $0x0  }
0x6b: {  	[sflag:s0] =	ssyncadd.s32 @!p0 s1  }
0x6c: {  	[bflag:$0x3] =	sbarrier.arrive $0xFFFF  }
0x6d: {  	_ =	shalt  }

// kernel: kernel.7.cloned.1.call-start
scs
__scs_entry_jumppad:
0x0: {  	(pc) =	sbr.rel $0x88, $3  }
0x1: {  	(tag) =	ssettag $0x0;
	lr =	simm.s32 $0x1  }
0x2: {  	[smem:$0x3F99] =	sst lr;
	_ =	strace $0xD0000000  }
0x3: {  	_ = 	snop  }
0x4: {  	_ = 	snop  }
0x5: {  	_ = 	snop  }
0x6: {  	_ = 	snop  }
0x7: {  	_ = 	snop  }
__scs_overlays_trampoline_lowered:
0x8: {  	[smem:$0x3FA8] =	sst s0  }
0x9: {  	[smem:$0x3FA9] =	sst s1  }
0xa: {  	[smem:$0x3FAA] =	sst s2  }
0xb: {  	[smem:$0x3FAB] =	sst s3  }
0xc: {  	[smem:$0x3FAC] =	sst s4  }
0xd: {  	[smem:$0x3FAD] =	sst s5  }
0xe: {  	[smem:$0x3FAE] =	sst s6  }
0xf: {  	[smem:$0x3FAF] =	sst s7  }
0x10: {  	[smem:$0x3FB0] =	sst s8  }
0x11: {  	[smem:$0x3FB1] =	sst s9;
	s0 =	simm.s32 @!p0 $0x0  }
0x12: {  	s1 =	sld [smem:$0x3F97];
	s0 =	simm.s32 @p0 $0x1  }
0x13: {  	[smem:$0x3FB2] =	sst s0;
	s0 =	simm.s32 @!p1 $0x0  }
0x14: {  	s2 =	sld [smem:$0x3F96];
	s0 =	simm.s32 @p1 $0x1  }
0x15: {  	[smem:$0x3FB3] =	sst s0;
	s0 =	simm.s32 @!p2 $0x0  }
0x16: {  	s3 =	sld [smem:$0x3FDB];
	s0 =	simm.s32 @p2 $0x1  }
0x17: {  	s4 =	simm.s32 $0x1BF5;
	[smem:$0x3FB5] =	sst s0  }
0x18: {  	s0 =	sld [smem:$0x3F98];
	_ =	swait.ge [sflag:s4], $0x0  }
0x19: {  	s7 =	sld [smem:$0x3F99]  }
0x1a: {  	s8 =	sadd.s32 $0xFFFFE003, lr  }
0x1b: {  	s9 =	sadd.s32 $0xFFFFFEF7, lr;
	s5 =	simm.s32 $0xFFFFFFFF;
	p2 =	slt.u32 s8, $0xFFFFF086  }
0x1c: {  	p1 =	slt.u32 s9, $0xF7A;
	s5 =	simm.s32 @!p2 $0x0  }
0x1d: {  	s5 =	simm.s32 @p1 $0x1;
	p0 =	seq.s32 s7, s2  }
0x1e: {  	s7 =	smul.u32 @!p0 $0xF7A, s2;
	p2 =	seq.s32 @!p0 s5, $0x0  }
0x1f: {  	s9 =	smul.u32 $0xF7A, s1;
	s8 =	simm.s32 @!p0 $0x1BF5;
	p2 =	por !p2, p0  }
0x20: {  	[sflag:s8] =	ssyncset.s32 @!p0 $0xFFFFF086;
	s6 =	sadd.s32 @!p0 s3, s7;
	s7 =	simm.s32 @!p0 $0x108  }
0x21: {  	s3 =	sadd.s32 s3, s9;
	s6 =	sadd.s32 @!p0 $0x88, s6;
	s7 =	simm.s32 @p2 $0x1082  }
0x22: {  	[simem:s7], [sflag:s8] =	dma.local @!p0 [hbm:s6], $0xF7A  }
0x23: {  	s9 =	sor.u32 $0xD0000000, s2;
	s6 =	simm.s32 $0x108;
	_ =	swait.ge @!p0 [sflag:s8], $0x0  }
0x24: {  	s3 =	sadd.s32 $0x88, s3;
	s6 =	simm.s32 @!p1 $0x1082;
	[sflag:s4] =	ssyncset.s32 $0xFFFFF086  }
0x25: {  	[simem:s6], [sflag:s4] =	dma.local [hbm:s3], $0xF7A  }
0x26: {  	[smem:$0x3F99] =	sst s1;
	(tag) =	ssettag s2;
	_ =	strace s9  }
0x27: {  	s1 =	sld [smem:$0x3FA9]  }
0x28: {  	s2 =	sld [smem:$0x3FAA]  }
0x29: {  	s4 =	sld [smem:$0x3FAC]  }
0x2a: {  	p0 =	seq.s32 s5, $0x0;
	s5 =	sld [smem:$0x3FAD]  }
0x2b: {  	s6 =	sld [smem:$0x3FAE]  }
0x2c: {  	s7 =	sld [smem:$0x3FAF]  }
0x2d: {  	s3 =	simm.s32 $0x108;
	s8 =	sld [smem:$0x3FB0]  }
0x2e: {  	s3 =	simm.s32 @!p0 $0x1082;
	s9 =	sld [smem:$0x3FB1]  }
0x2f: {  	lr =	sadd.s32 s0, s3;
	s0 =	sld [smem:$0x3FA8]  }
0x30: {  	s3 =	sld [smem:$0x3FAB]  }
0x31: {  	[smem:$0x3FB4] =	sst s10  }
0x32: {  	s10 =	sld [smem:$0x3FB2];
	_ =	sdelay $0x3  }
0x33: {  	p0 =	seq.s32 s10, $0x1;
	s10 =	sld [smem:$0x3FB4];
	_ =	sdelay $0x3  }
0x34: {  	[smem:$0x3FB4] =	sst s10  }
0x35: {  	s10 =	sld [smem:$0x3FB3];
	_ =	sdelay $0x3  }
0x36: {  	p1 =	seq.s32 s10, $0x1;
	s10 =	sld [smem:$0x3FB4];
	_ =	sdelay $0x3  }
0x37: {  	[smem:$0x3FB4] =	sst s10  }
0x38: {  	s10 =	sld [smem:$0x3FB5]  }
0x39: {  	_ = 	snop;
	(pc) =	sbr.ind lr, $3  }
0x3a: {  	_ = 	snop  }
0x3b: {  	_ = 	snop  }
0x3c: {  	p2 =	seq.s32 s10, $0x1;
	s10 =	sld [smem:$0x3FB4]  }
0x3d: {  	_ =	shalt  }
0x3e: {  	_ =	shalt  }
0x3f: {  	_ =	shalt  }
0x40: {  	_ =	shalt  }
0x41: {  	_ =	shalt  }
0x42: {  	_ =	shalt  }
0x43: {  	_ =	shalt  }
0x44: {  	_ =	shalt  }
0x45: {  	_ =	shalt  }
0x46: {  	_ =	shalt  }
0x47: {  	_ =	shalt  }
0x48: {  	_ =	shalt  }
0x49: {  	_ =	shalt  }
0x4a: {  	_ =	shalt  }
0x4b: {  	_ =	shalt  }
0x4c: {  	_ =	shalt  }
0x4d: {  	_ =	shalt  }
0x4e: {  	_ =	shalt  }
0x4f: {  	_ =	shalt  }
0x50: {  	_ =	shalt  }
0x51: {  	_ =	shalt  }
0x52: {  	_ =	shalt  }
0x53: {  	_ =	shalt  }
0x54: {  	_ =	shalt  }
0x55: {  	_ =	shalt  }
0x56: {  	_ =	shalt  }
0x57: {  	_ =	shalt  }
0x58: {  	_ =	shalt  }
0x59: {  	_ =	shalt  }
0x5a: {  	_ =	shalt  }
0x5b: {  	_ =	shalt  }
0x5c: {  	_ =	shalt  }
0x5d: {  	_ =	shalt  }
0x5e: {  	_ =	shalt  }
0x5f: {  	_ =	shalt  }
0x60: {  	_ =	shalt  }
0x61: {  	_ =	shalt  }
0x62: {  	_ =	shalt  }
0x63: {  	_ =	shalt  }
0x64: {  	_ =	shalt  }
0x65: {  	_ =	shalt  }
0x66: {  	_ =	shalt  }
0x67: {  	_ =	shalt  }
0x68: {  	_ =	shalt  }
0x69: {  	_ =	shalt  }
0x6a: {  	_ =	shalt  }
0x6b: {  	_ =	shalt  }
0x6c: {  	_ =	shalt  }
0x6d: {  	_ =	shalt  }
0x6e: {  	_ =	shalt  }
0x6f: {  	_ =	shalt  }
0x70: {  	_ =	shalt  }
0x71: {  	_ =	shalt  }
0x72: {  	_ =	shalt  }
0x73: {  	_ =	shalt  }
0x74: {  	_ =	shalt  }
0x75: {  	_ =	shalt  }
0x76: {  	_ =	shalt  }
0x77: {  	_ =	shalt  }
0x78: {  	_ =	shalt  }
0x79: {  	_ =	shalt  }
0x7a: {  	_ =	shalt  }
0x7b: {  	_ =	shalt  }
0x7c: {  	_ =	shalt  }
0x7d: {  	_ =	shalt  }
0x7e: {  	_ =	shalt  }
0x7f: {  	_ =	shalt  }
0x80: {  	_ =	shalt  }
0x81: {  	_ =	shalt  }
0x82: {  	_ =	shalt  }
0x83: {  	_ =	shalt  }
0x84: {  	_ =	shalt  }
0x85: {  	_ =	shalt  }
0x86: {  	_ =	shalt  }
0x87: {  	_ =	shalt  }
.Lfunc_end0:
.L_simem_size_0:
called_computation_lowered:
.L_overlay_start_0:
0x88: {  	s2 =	sld [smem:$0x3FD9]  }
0x89: {  	s3 =	sld [smem:$0x3FFE];
	_ =	sdelay $0x1  }
0x8a: {  	s1 =	srdreg.scid  }
0x8b: {  	s0 =	sand.u32 $0x1, s1  }
0x8c: {  	s17 =	sshll.u32 s0, $0xA;
	s2 =	sadd.s32 s3, s2  }
0x8d: {  	s2 =	sadd.s32 s2, s17  }
0x8e: {  	[smem:$0x3FC0] =	sst s2  }
0x8f: {  	_ = 	snop  }
0x90: {  	s2 =	sld [smem:$0x3FD0];
	(tm) =	ssettm $0x1  }
0x91: {  	s18 =	sld [smem:$0x3FFB];
	_ =	sdelay $0x3  }
0x92: {  	_ =	strace s18  }
0x93: {  	s3 =	sld [smem:$0x3FFC];
	_ =	sdelay $0x3  }
0x94: {  	_ =	strace s3  }
0x95: {  	s3 =	sld [smem:$0x3FFD];
	_ =	sdelay $0x3  }
0x96: {  	_ =	strace s3  }
0x97: {  	_ =	strace $0x8FFFFFFF  }
0x98: {  	s19 =	sld [smem:$0x3FDB];
	_ =	sdelay $0x1  }
0x99: {  	s4 =	simm.s32 $_scs_section_size  }
0x9a: {  	s5 =	simm.s32 $_size__tile_overlayer_lowered;
	s6 =	simm.s32 $_tile_overlayer_lowered  }
0x9b: {  	s22 =	simm.s32 $0x1BFF;
	s21 =	sshll.u32 s6, $0x1;
	s3 =	sadd.s32 s4, s19  }
0x9c: {  	s7 =	simm.s32 $0x0;
	s20 =	sshll.u32 s5, $0x1;
	s5 =	sadd.s32 s21, s3  }
0x9d: {  	[timem:s7], [sflag:s22] =	dma.local [hbm:s5], s20  }
0x9e: {  	_ =	swait.ge [sflag:s22], s20  }
0x9f: {  	s4 =	ssub.s32 $0x0, s20;
	[sflag:s22] =	ssyncset.done $0x0  }
0xa0: {  	[sflag:s22] =	ssyncadd.s32 s4;
	_ =	sdelay $0x1  }
0xa1: {  	s23 =	simm.s32 $0x1B8B  }
0xa2: {  	_ =	swait.ge [sflag:s23], $0x1  }
0xa3: {  	[sflag:s23] =	ssyncset.done $0x0  }
0xa4: {  	s25 =	simm.s32 $0x1B8E;
	s24 =	sld [smem:$0x3FFE];
	[sflag:s23] =	ssyncadd.s32 $0xFFFFFFFF  }
0xa5: {  	s26 =	simm.s32 $execute0_lowered;
	[smem:$0x3FD2] =	sst s25  }
0xa6: {  	s5 =	sshll.u32 s26, $0x1;
	_ =	strace $0x80000046;
	[dreg:$0x1] =	wrdreg $0xFFFFFFFF  }
0xa7: {  	s28 =	simm.s32 $_size_execute0_lowered;
	s3 =	sadd.s32 s3, s5;
	[dreg:$0x0] =	wrdreg $0x0  }
0xa8: {  	s5 =	sshll.u32 s28, $0x1;
	[dreg:$0x2] =	wrdreg s3  }
0xa9: {  	[dreg:$0x3] =	wrdreg s5  }
0xaa: {  	[dreg:$0x4] =	wrdreg $0xC0  }
0xab: {  	_ =	task [dreg:s7], $0x5FFFF  }
0xac: {  	[dreg:$0x1] =	wrdreg $0xFFFFFFFF  }
0xad: {  	[dreg:$0x0] =	wrdreg $0x60  }
0xae: {  	[dreg:$0x2] =	wrdreg s2  }
0xaf: {  	[dreg:$0x3] =	wrdreg s24  }
0xb0: {  	[dreg:$0x4] =	wrdreg $0x90000  }
0xb1: {  	[dreg:$0x5] =	wrdreg $0x1F8800  }
0xb2: {  	[dreg:$0x6] =	wrdreg $0x9  }
0xb3: {  	_ =	task.clear_ibuf [dreg:s7], $0x7FFFF;
	_ =	strace $0x90000046  }
0xb4: {  	s29 =	simm.s32 $0x9;
	_ =	strace $0x80000048  }
0xb5: {  	_ =	swait.ge [sflag:s29], $0x1  }
0xb6: {  	[sflag:s29] =	ssyncadd.s32 $0xFFFFFFFF  }
0xb7: {  	_ =	strace $0x90000048  }
0xb8: {  	_ =	sfence  }
0xb9: {  	s30 =	sld [smem:$0x0];
	_ =	sdelay $0x2  }
0xba: {  	s31 =	sshll.u32 s1, $0xD;
	s1 =	sshrl.u32 s1, $0x2  }
0xbb: {  	s3 =	sand.u32 $0x4000, s31;
	s1 =	sadd.s32 s1, s30  }
0xbc: {  	s0 =	sor.u32 s3, s0;
	s1 =	sshll.u32 s1, $0x11  }
0xbd: {  	s0 =	sor.u32 s1, s0  }
0xbe: {  	s0 =	sadd.s32 $0x8F2B, s0  }
0xbf: {  	[sflag:s0] =	ssyncadd.remote.s32 $0x1  }
0xc0: {  	_ =	sfence.sel $0xFFFF  }
0xc1: {  	[dreg:$0x0] =	wrdreg $0xFFFFFFFF;
	(pc) =	sbr.abs _section_cstart, $3  }
0xc2: {  	[dreg:$0x1] =	wrdreg $0xFFFFFFFF  }
0xc3: {  	_ =	task.clear_ibuf [dreg:s7], $0x2FFFF;
	_ =	strace $0x9FFFFFFF  }
0xc4: {  	(tm) =	ssettm $0x7FFFFFFF  }
0xc5: {  	_ =	shalt  }
tec
execute0_lowered:
.L_overlay_start_1:
0x0: {  	(tag) =	ssettag $0x1  }
0x1: {  	s1 =	rddreg [dreg:$0x0]  }
0x2: {  	s7 =	rddreg [dreg:$0x1]  }
0x3: {  	s3 =	rddreg [dreg:$0x2]  }
0x4: {  	s0 =	srdreg.scid;
	s4 =	rddreg [dreg:$0x3]  }
0x5: {  	s5 =	simm.s32 $0x0;
	s17 =	simm.s32 $0x2800;
	s18 =	simm.s32 $0x5000  }
0x6: {  	s19 =	simm.s32 $0x4;
	s20 =	simm.s32 $0x1;
	s21 =	simm.s32 $0x2  }
0x7: {  	s22 =	simm.s32 $0x80;
	s23 =	simm.s32 $0x1D000;
	s6 =	sand.u32 $0x1, s0  }
0x8: {  	s24 =	simm.s32 $0x3;
	s0 =	stileid.u32;
	s9 =	smul.u32 $0x140000, s6  }
0x9: {  	s28 =	simm.s32 $0x0;
	[smem:$0x7FF] =	sst s5;
	s10 =	smul.u32 $0x14000, s0  }
0xa: {  	s2 =	sshll.u32 s6, $0x4;
	s11 =	smul.u32 $0x2800, s6;
	s13 =	sshll.u32 s0, $0xA  }
0xb: {  	s26 =	smul.u32 $0x50000, s0;
	s6 =	ssub.s32 $0x2, s6;
	s2 =	sor.u32 s0, s2  }
0xc: {  	p0 =	sgt.u32 s0, $0x9;
	s30 =	sshrl.u32 s6, $0x1;
	s8 =	smul.u32 $0x500, s2  }
0xd: {  	s2 =	rddreg [dreg:$0x4];
	_ =	strace $0x80000047;
	s9 =	sadd.s32 s10, s9  }
0xe: {  	s25 =	sadd.s32 s13, s11;
	s31 =	sshrl.u32 s26, $0x2;
	s16 =	ssub.s32 s6, s30  }
0xf: {  	s13 =	sadd.s32 s13, s4;
	s26 =	simm.s32 $0x1F800;
	s9 =	sshrl.u32 s9, $0x3  }
0x10: {  	s29 =	sshrl.u32 s25, $0x3;
	s16 =	smax.u32 s16, $0x1;
	s25 =	simm.s32 $0x50  }
0x11: {  	s8 =	sadd.s32 s8, s7;
	s14 =	sadd.s32 s9, s7;
	s15 =	sadd.s32 s29, s7  }
0x12: {  	v0 =	vlaneseq.u32;
	s7 =	sadd.s32 s31, s3;
	s6 =	sadd.s32 $0x1E00, s8;
	s8 =	sadd.s32 $0xBE00, s8  }
0x13: {  	v1 =	vimm.f32 $0.0e+00;
	v2 =	vimm.s32 $0x0;
	v3 =	vor.u32 $0x10, v0;
	s9 =	sadd.s32 $0x4000, s7;
	s10 =	sadd.s32 $0x8000, s7;
	s11 =	sadd.s32 $0xC000, s7  }
0x14: {  	v4 =	vor.u32 $0x20, v0;
	v5 =	vor.u32 $0x30, v0;
	v6 =	vor.u32 $0x40, v0;
	s12 =	sadd.s32 $0x10000, s7;
	s14 =	sadd.s32 $0x16800, s14;
	s15 =	sadd.s32 $0x15E00, s15  }
.LBB2_1:
0x15: {  	[tilespmem:s5], [sflag:$0x1] =	stream.linear.gather [hbm4b:s6+s5], $0x2800, $0x38;
	[tilespmem:$0x1FB00] =	vst v63  }
0x16: {  	s29 =	simm.s32 $0x0;
	s30 =	simm.s32 $0x200  }
0x17: {  	[tilespmem:s17], [sflag:$0x2] =	stream.linear.gather [hbm4b:s8+s5], $0x2800, $0x38;
	[tilespmem:$0x1FB00] =	vst v63  }
.LBB2_2:
0x18: {  	p1 =	sne.s32 s30, $0xFE00;
	[tilespmem:s29+$0x5070] =	vst v1  }
0x19: {  	[tilespmem:s29+$0x5000] =	vst v1  }
0x1a: {  	[tilespmem:s29+$0x5010] =	vst v1  }
.Ltmp0:
0x1b: {  	[tilespmem:s29+$0x5020] =	vst v1;
	(pc) =	sbr.rel @p1 .LBB2_2-.Ltmp0, $4  }
0x1c: {  	[tilespmem:s29+$0x5030] =	vst v1  }
0x1d: {  	[tilespmem:s29+$0x5040] =	vst v1  }
0x1e: {  	[tilespmem:s29+$0x5050] =	vst v1  }
0x1f: {  	[tilespmem:s29+$0x5060] =	vst v1;
	s29 =	sshra.s32 s30, $0x2;
	s30 =	sadd.s32 $0x200, s30  }
0x20: {  	[tilespmem:s29+$0x5070] =	vst v1  }
0x21: {  	[tilespmem:s29+$0x5000] =	vst v1  }
0x22: {  	[tilespmem:s29+$0x5010] =	vst v1  }
0x23: {  	[tilespmem:s29+$0x5020] =	vst v1  }
0x24: {  	[tilespmem:s29+$0x5030] =	vst v1  }
0x25: {  	[tilespmem:s29+$0x5040] =	vst v1  }
0x26: {  	[tilespmem:s29+$0x5050] =	vst v1  }
0x27: {  	[tilespmem:s29+$0x5060] =	vst v1  }
0x28: {  	[spmem:s7] =	stream.linear.scatter [tilespmem:s18], [sflag:$0x4], $0x4000, $0x38;
	[tilespmem:$0x1FB00] =	vst v63  }
0x29: {  	_ =	swait.ge [sflag:s19], $0x4000  }
0x2a: {  	[sflag:s19] =	ssyncset.done $0x0  }
0x2b: {  	[sflag:s19] =	ssyncadd.s32 $0xFFFFC000  }
0x2c: {  	[spmem:s9] =	stream.linear.scatter [tilespmem:s18], [sflag:$0x4], $0x4000, $0x38;
	[tilespmem:$0x1FB00] =	vst v63  }
0x2d: {  	_ =	swait.ge [sflag:s19], $0x4000  }
0x2e: {  	[sflag:s19] =	ssyncset.done $0x0  }
0x2f: {  	[sflag:s19] =	ssyncadd.s32 $0xFFFFC000  }
0x30: {  	[spmem:s10] =	stream.linear.scatter [tilespmem:s18], [sflag:$0x4], $0x4000, $0x38;
	[tilespmem:$0x1FB00] =	vst v63  }
0x31: {  	_ =	swait.ge [sflag:s19], $0x4000  }
0x32: {  	[sflag:s19] =	ssyncset.done $0x0  }
0x33: {  	[sflag:s19] =	ssyncadd.s32 $0xFFFFC000  }
0x34: {  	[spmem:s11] =	stream.linear.scatter [tilespmem:s18], [sflag:$0x4], $0x4000, $0x38;
	[tilespmem:$0x1FB00] =	vst v63  }
0x35: {  	_ =	swait.ge [sflag:s19], $0x4000  }
0x36: {  	[sflag:s19] =	ssyncset.done $0x0  }
0x37: {  	[sflag:s19] =	ssyncadd.s32 $0xFFFFC000  }
0x38: {  	[spmem:s12] =	stream.linear.scatter [tilespmem:s18], [sflag:$0x4], $0x4000, $0x38;
	[tilespmem:$0x1FB00] =	vst v63  }
0x39: {  	_ =	swait.ge [sflag:s19], $0x4000  }
0x3a: {  	[sflag:s19] =	ssyncset.done $0x0  }
0x3b: {  	s29 =	simm.s32 $0x70;
	s30 =	simm.s32 $0x3C0;
	[sflag:s19] =	ssyncadd.s32 $0xFFFFC000  }
.LBB2_4:
0x3c: {  	p1 =	sne.s32 s30, $0x9FC0;
	[tilespmem:s29+$0x1D000] =	vst v2  }
0x3d: {  	[tilespmem:s29+$0x1CF90] =	vst v2  }
0x3e: {  	[tilespmem:s29+$0x1CFA0] =	vst v2  }
.Ltmp1:
0x3f: {  	[tilespmem:s29+$0x1CFB0] =	vst v2;
	(pc) =	sbr.rel @p1 .LBB2_4-.Ltmp1, $4  }
0x40: {  	[tilespmem:s29+$0x1CFC0] =	vst v2  }
0x41: {  	[tilespmem:s29+$0x1CFD0] =	vst v2  }
0x42: {  	[tilespmem:s29+$0x1CFE0] =	vst v2  }
0x43: {  	[tilespmem:s29+$0x1CFF0] =	vst v2;
	s29 =	sshra.s32 s30, $0x2;
	s30 =	sadd.s32 $0x200, s30  }
0x44: {  	[tilespmem:s29+$0x1D000] =	vst v2  }
0x45: {  	[tilespmem:s29+$0x1CF90] =	vst v2  }
0x46: {  	[tilespmem:s29+$0x1CFA0] =	vst v2  }
0x47: {  	[tilespmem:s29+$0x1CFB0] =	vst v2  }
0x48: {  	[tilespmem:s29+$0x1CFC0] =	vst v2  }
0x49: {  	[tilespmem:s29+$0x1CFD0] =	vst v2  }
0x4a: {  	[tilespmem:s29+$0x1CFE0] =	vst v2  }
0x4b: {  	[tilespmem:s29+$0x1CFF0] =	vst v2  }
0x4c: {  	[tilespmem:$0x1F800] =	vst v0  }
0x4d: {  	[tilespmem:$0x1F810] =	vst v3  }
0x4e: {  	[tilespmem:$0x1F820] =	vst v4  }
0x4f: {  	[tilespmem:$0x1F830] =	vst v5  }
0x50: {  	s29 =	simm.s32 @!p0 $0x1D000;
	[tilespmem:$0x1F840] =	vst v6  }
0x51: {  	[spmem:s13] =	stream.linear.scatter @!p0 [tilespmem:s29], [sflag:$0x4], $0x400, $0x38;
	[tilespmem:$0x1FB00] =	vst v63  }
0x52: {  	s29 =	simm.s32 @!p0 $0x4  }
0x53: {  	_ =	swait.ge @!p0 [sflag:s29], $0x400  }
0x54: {  	[sflag:s29] =	ssyncset.done @!p0 $0x0  }
0x55: {  	[sflag:s29] =	ssyncadd.s32 @!p0 $0xFFFFFC00  }
0x56: {  	[bflag:$0x0] =	sbarrier.arrive $0xFFFF  }
0x57: {  	_ =	swait.ge [sflag:s20], $0x2800  }
0x58: {  	[sflag:s20] =	ssyncset.done $0x0  }
0x59: {  	[sflag:s20] =	ssyncadd.s32 $0xFFFFD800  }
0x5a: {  	_ =	swait.ge [sflag:s21], $0x2800  }
0x5b: {  	[sflag:s21] =	ssyncset.done $0x0  }
0x5c: {  	s29 =	simm.s32 $0x0;
	[sflag:s21] =	ssyncadd.s32 $0xFFFFD800  }
.LBB2_6:
0x5d: {  	s30 =	sshra.s32 s29, $0x2  }
0x5e: {  	[tilespmem:s18], [sflag:$0x3] =	stream.indirect.gather [hbm4b:s1+s22], $0x80, s30, s22, $0xb8;
	[tilespmem:$0x1FB00] =	vst v63  }
0x5f: {  	v7 =	vld [tilespmem:s30+$0x2800];
	_ =	sdelay $0x4  }
0x60: {  	(xrf1) =	vunique.msk.u32 $0xffff, v7;
	_ =	sdelay $0xd  }
0x61: {  	_, v8, vm0 =	vpop (xrf1);
	_ =	sdelay $0x5  }
0x62: {  	[tilespmem:v7+s23+$0x0] =	vst.idx.add.s32.msk vm0, v8  }
0x63: {  	v7 =	vld [tilespmem:s30+$0x2810];
	_ =	sdelay $0x4  }
0x64: {  	(xrf1) =	vunique.msk.u32 $0xffff, v7;
	_ =	sdelay $0xd  }
0x65: {  	_, v8, vm0 =	vpop (xrf1);
	_ =	sdelay $0x5  }
0x66: {  	[tilespmem:v7+s23+$0x0] =	vst.idx.add.s32.msk vm0, v8  }
0x67: {  	v7 =	vld [tilespmem:s30+$0x2820];
	_ =	sdelay $0x4  }
0x68: {  	(xrf1) =	vunique.msk.u32 $0xffff, v7;
	_ =	sdelay $0xd  }
0x69: {  	_, v8, vm0 =	vpop (xrf1);
	_ =	sdelay $0x5  }
0x6a: {  	[tilespmem:v7+s23+$0x0] =	vst.idx.add.s32.msk vm0, v8  }
0x6b: {  	v7 =	vld [tilespmem:s30+$0x2830];
	_ =	sdelay $0x4  }
0x6c: {  	(xrf1) =	vunique.msk.u32 $0xffff, v7;
	_ =	sdelay $0xd  }
0x6d: {  	_, v8, vm0 =	vpop (xrf1);
	_ =	sdelay $0x5  }
0x6e: {  	[tilespmem:v7+s23+$0x0] =	vst.idx.add.s32.msk vm0, v8  }
0x6f: {  	v7 =	vld [tilespmem:s30+$0x2840];
	_ =	sdelay $0x4  }
0x70: {  	(xrf1) =	vunique.msk.u32 $0xffff, v7;
	_ =	sdelay $0xd  }
0x71: {  	_, v8, vm0 =	vpop (xrf1);
	_ =	sdelay $0x5  }
0x72: {  	[tilespmem:v7+s23+$0x0] =	vst.idx.add.s32.msk vm0, v8  }
0x73: {  	v7 =	vld [tilespmem:s30+$0x2850];
	_ =	sdelay $0x4  }
0x74: {  	(xrf1) =	vunique.msk.u32 $0xffff, v7;
	_ =	sdelay $0xd  }
0x75: {  	_, v8, vm0 =	vpop (xrf1);
	_ =	sdelay $0x5  }
0x76: {  	[tilespmem:v7+s23+$0x0] =	vst.idx.add.s32.msk vm0, v8  }
0x77: {  	v7 =	vld [tilespmem:s30+$0x2860];
	_ =	sdelay $0x4  }
0x78: {  	(xrf1) =	vunique.msk.u32 $0xffff, v7;
	_ =	sdelay $0xd  }
0x79: {  	_, v8, vm0 =	vpop (xrf1);
	_ =	sdelay $0x5  }
0x7a: {  	[tilespmem:v7+s23+$0x0] =	vst.idx.add.s32.msk vm0, v8  }
0x7b: {  	v7 =	vld [tilespmem:s30+$0x2870];
	_ =	sdelay $0x4  }
0x7c: {  	(xrf1) =	vunique.msk.u32 $0xffff, v7;
	_ =	sdelay $0xd  }
0x7d: {  	_, v8, vm0 =	vpop (xrf1);
	_ =	sdelay $0x5  }
0x7e: {  	[tilespmem:v7+s23+$0x0] =	vst.idx.add.s32.msk vm0, v8  }
0x7f: {  	_ =	swait.ge [sflag:s24], $0x4000  }
0x80: {  	p1 =	sne.s32 s29, $0x9E00;
	[sflag:s24] =	ssyncset.done $0x0  }
.Ltmp2:
0x81: {  	s30 =	sadd.s32 $0x2800, s30;
	[sflag:s24] =	ssyncadd.s32 $0xFFFFC000;
	(pc) =	sbr.rel @p1 .LBB2_6-.Ltmp2, $4  }
0x82: {  	[spmem:s3] =	stream.indirect.scatter.add.f32 [tilespmem:s18], [sflag:$0x4], $0x80, s30, s22, $0xb8;
	[tilespmem:$0x1FB00] =	vst v63  }
0x83: {  	_ =	swait.ge [sflag:s19], $0x4000  }
0x84: {  	[sflag:s19] =	ssyncset.done $0x0  }
0x85: {  	s29 =	sadd.s32 $0x200, s29;
	[sflag:s19] =	ssyncadd.s32 $0xFFFFC000  }
0x86: {  	[spmem:s4] =	stream.indirect.scatter.add.s32 [tilespmem:s23], [sflag:$0x4], $0x80, s26, s25, $0xb8;
	[tilespmem:$0x1FB00] =	vst v63  }
0x87: {  	_ =	swait.ge [sflag:s19], $0x2800  }
0x88: {  	[sflag:s19] =	ssyncset.done $0x0  }
0x89: {  	s29 =	sshll.u32 s0, $0x6;
	[sflag:s19] =	ssyncadd.s32 $0xFFFFD800  }
0x8a: {  	s30 =	sshrl.u32 s7, $0x3;
	s29 =	sor.u32 $0x1C04, s29;
	[bflag:$0x0] =	sbarrier.arrive $0xFFFF  }
0x8b: {  	[hbm:s14], [sflag:s29] =	dma.local [spmem:s30], $0x2800  }
0x8c: {  	_ =	swait.ge [sflag:s19], $0x2800  }
0x8d: {  	s28 =	sadd.s32 $0x1, s28;
	[sflag:s19] =	ssyncset.done $0x0  }
0x8e: {  	p1 =	sne.s32 s28, s16;
	s30 =	sshrl.u32 @!p0 s13, $0x3;
	[sflag:s19] =	ssyncadd.s32 $0xFFFFD800  }
0x8f: {  	[hbm:s15], [sflag:s29] =	dma.local @!p0 [spmem:s30], $0x80  }
.Ltmp3:
0x90: {  	_ = 	snop;
	(pc) =	sbr.rel @p1 .LBB2_1-.Ltmp3, $4  }
0x91: {  	s29 =	simm.s32 @!p0 $0x4  }
0x92: {  	_ =	swait.ge @!p0 [sflag:s29], $0x80  }
0x93: {  	[sflag:s29] =	ssyncset.done @!p0 $0x0  }
0x94: {  	[sflag:s29] =	ssyncadd.s32 @!p0 $0xFFFFFF80  }
0x95: {  	_ =	sfence.sel $0x180000  }
0x96: {  	[bflag:$0x0] =	sbarrier.arrive $0xFFFF  }
0x97: {  	p0 =	sne.s32 s0, $0x0;
	_ =	strace $0x90000047  }
0x98: {  	s0 =	sadd.s32 @!p0 $0x100000, s2;
	[bflag:$0x2] =	sbarrier.arrive $0xFFFF  }
0x99: {  	[sflag:s0] =	ssyncadd.tile.s32 @!p0 $0x1;
	_ =	shalt  }
.Lfunc_end2:
_tile_overlayer_lowered:
.L_overlay_start_2:
0x9a: {  	(tag) =	ssettag $0x2  }
0x9b: {  	s0 =	rddreg [dreg:$0x0];
	s2 =	stileid.u32  }
0x9c: {  	s1 =	rddreg [dreg:$0x1];
	p0 =	sne.s32 s2, $0x0  }
0x9d: {  	s3 =	rddreg [dreg:$0x2];
	[bflag:$0x3] =	sbarrier.arrive $0xFFFF;
	s2 =	simm.s32 @!p0 $0x1C04  }
0x9e: {  	[timem:s3], [sflag:s2] =	dma.local @!p0 [hbm:s0], s1  }
0x9f: {  	s0 =	simm.s32 @!p0 $0x4  }
0xa0: {  	_ =	swait.ge @!p0 [sflag:s0], s1  }
0xa1: {  	s1 =	ssub.s32 @!p0 $0x0, s1;
	[sflag:s0] =	ssyncset.done @!p0 $0x0  }
0xa2: {  	[sflag:s0] =	ssyncadd.s32 @!p0 s1  }
0xa3: {  	[bflag:$0x3] =	sbarrier.arrive $0xFFFF  }
0xa4: {  	_ =	shalt  }

</sc_bundles>
